<compile_context>
chip_gen: v7x
topology: tpu7x:2x2x1
jax: 0.10.2.dev20260603
libtpu: 0.0.44.dev20260713+nightly
codegen_flags: <defaults>
</compile_context>

<pallas_src>
import functools

import jax
import jax.numpy as jnp
from jax import lax
from jax.experimental import pallas as pl
from jax.experimental.pallas import tpu as pltpu
from jax.experimental.pallas import tpu_sc as plsc

N = 10000
E = 320000
D = 128
NUM_GRAPHS = 64

NC = 2
NS = 16
NW = NC * NS
G = 128

EPG = NW * G
E_PAD = ((E + EPG - 1) // EPG) * EPG
EPT = E_PAD // NW
N_GROUPS = EPT // G
ROWS_PT = 632
N_ACC = NS * ROWS_PT
TAIL = N - 15 * ROWS_PT
TAIL_Z = N_ACC - N

_mesh = plsc.VectorSubcoreMesh(core_axis_name="c", subcore_axis_name="s")


@functools.partial(
    pl.kernel,
    mesh=_mesh,
    out_type=jax.ShapeDtypeStruct((NC, N, D), jnp.float32),
    scratch_types=[
        pltpu.VMEM((G,), jnp.int32),
        pltpu.VMEM((G,), jnp.int32),
        pltpu.VMEM((G, D), jnp.float32),
        pltpu.VMEM_SHARED((N_ACC, D), jnp.float32),
        pltpu.SemaphoreType.DMA,
    ],
)
def _sc_aggregate(x_hbm, src_hbm, dst_hbm, zrows_hbm, out_hbm,
                  idx_s, idx_d, rows, acc, sem):
    cid = lax.axis_index("c")
    sid = lax.axis_index("s")
    wid = sid * NC + cid
    row0 = sid * ROWS_PT

    @pl.when(jnp.logical_and(cid == 0, sid < NS - 1))
    def _():
        pltpu.sync_copy(x_hbm.at[pl.ds(row0, ROWS_PT)],
                        acc.at[pl.ds(row0, ROWS_PT)])

    @pl.when(jnp.logical_and(cid == 0, sid == NS - 1))
    def _():
        pltpu.sync_copy(x_hbm.at[pl.ds(15 * ROWS_PT, TAIL)],
                        acc.at[pl.ds(15 * ROWS_PT, TAIL)])
        pltpu.sync_copy(zrows_hbm.at[pl.ds(0, TAIL_Z)],
                        acc.at[pl.ds(N, TAIL_Z)])

    @pl.when(cid != 0)
    def _():
        pltpu.sync_copy(zrows_hbm, acc.at[pl.ds(row0, ROWS_PT)])

    plsc.subcore_barrier()

    def body(g, carry):
        base = wid * EPT + g * G
        pltpu.sync_copy(src_hbm.at[pl.ds(base, G)], idx_s)
        pltpu.sync_copy(dst_hbm.at[pl.ds(base, G)], idx_d)
        pltpu.async_copy(x_hbm.at[idx_s], rows, sem).wait()
        pltpu.sync_copy(rows, acc.at[idx_d], add=True)
        return carry

    lax.fori_loop(0, N_GROUPS, body, 0)

    plsc.subcore_barrier()

    @pl.when(sid < NS - 1)
    def _():
        pltpu.sync_copy(acc.at[pl.ds(row0, ROWS_PT)],
                        out_hbm.at[cid, pl.ds(row0, ROWS_PT)])

    @pl.when(sid == NS - 1)
    def _():
        pltpu.sync_copy(acc.at[pl.ds(15 * ROWS_PT, TAIL)],
                        out_hbm.at[cid, pl.ds(15 * ROWS_PT, TAIL)])


ROWS_TC = 1000
N_BLOCKS = N // ROWS_TC


def _mlp_body(agg_ref, w1_ref, b1_ref, w2_ref, b2_ref):
    h = agg_ref[0] + agg_ref[1]
    h = jnp.maximum(
        jnp.dot(h, w1_ref[...], preferred_element_type=jnp.float32)
        + b1_ref[...], 0.0)
    h = jnp.maximum(
        jnp.dot(h, w2_ref[...], preferred_element_type=jnp.float32)
        + b2_ref[...], 0.0)
    return h


def _mlp_kernel(agg_ref, w1_ref, b1_ref, w2_ref, b2_ref, o_ref):
    o_ref[...] = _mlp_body(agg_ref, w1_ref, b1_ref, w2_ref, b2_ref)


def _mlp_pool_kernel(agg_ref, w1_ref, b1_ref, w2_ref, b2_ref, batch_ref,
                     o_ref, counts):
    i = pl.program_id(0)

    @pl.when(i == 0)
    def _():
        o_ref[...] = jnp.zeros_like(o_ref)
        counts[...] = jnp.zeros_like(counts)

    h = _mlp_body(agg_ref, w1_ref, b1_ref, w2_ref, b2_ref)
    b = batch_ref[0, 0, :]
    onehot = (b[:, None]
              == lax.broadcasted_iota(jnp.int32, (ROWS_TC, NUM_GRAPHS), 1)
              ).astype(jnp.float32)
    o_ref[...] += lax.dot_general(
        onehot, h, (((0,), (0,)), ((), ())),
        preferred_element_type=jnp.float32)
    counts[...] += jnp.sum(onehot, axis=0)[:, None]

    @pl.when(i == N_BLOCKS - 1)
    def _():
        o_ref[...] = o_ref[...] / jnp.maximum(counts[...], 1.0)


_w_spec = pl.BlockSpec((D, D), lambda i: (0, 0))
_b_spec = pl.BlockSpec((1, D), lambda i: (0, 0))
_agg_spec = pl.BlockSpec((NC, ROWS_TC, D), lambda i: (0, i, 0))


def _tc_mlp(agg, w1, b1, w2, b2):
    return pl.pallas_call(
        _mlp_kernel,
        grid=(N_BLOCKS,),
        in_specs=[_agg_spec, _w_spec, _b_spec, _w_spec, _b_spec],
        out_specs=pl.BlockSpec((ROWS_TC, D), lambda i: (i, 0)),
        out_shape=jax.ShapeDtypeStruct((N, D), jnp.float32),
    )(agg, w1, b1.reshape(1, D), w2, b2.reshape(1, D))


def _tc_mlp_pool(agg, w1, b1, w2, b2, batch_r):
    return pl.pallas_call(
        _mlp_pool_kernel,
        grid=(N_BLOCKS,),
        in_specs=[_agg_spec, _w_spec, _b_spec, _w_spec, _b_spec,
                  pl.BlockSpec((1, 1, ROWS_TC), lambda i: (i, 0, 0))],
        out_specs=pl.BlockSpec((NUM_GRAPHS, D), lambda i: (0, 0)),
        out_shape=jax.ShapeDtypeStruct((NUM_GRAPHS, D), jnp.float32),
        scratch_shapes=[pltpu.VMEM((NUM_GRAPHS, D), jnp.float32)],
    )(agg, w1, b1.reshape(1, D), w2, b2.reshape(1, D), batch_r)


@jax.jit
def kernel(x, edge_index, batch, W1a, b1a, W2a, b2a, W1b, b1b, W2b, b2b):
    pad = E_PAD - E
    src = jnp.concatenate([edge_index[0], jnp.zeros((pad,), jnp.int32)])
    dst = jnp.concatenate([edge_index[1], jnp.full((pad,), N, jnp.int32)])
    zrows = jnp.zeros((ROWS_PT, D), jnp.float32)
    batch_r = batch.reshape(N_BLOCKS, 1, ROWS_TC)

    agg1 = _sc_aggregate(x, src, dst, zrows)
    h1 = _tc_mlp(agg1, W1a, b1a, W2a, b2a)
    agg2 = _sc_aggregate(h1, src, dst, zrows)
    return _tc_mlp_pool(agg2, W1b, b1b, W2b, b2b, batch_r)

# --- scband reference (transcript-rebuilt; emitter-appended) ---
"""Pipeline reference for scband-ginencoder-68813966016847 (READ-ONLY COPY).

The authoritative reference and input builder live on the scoring server;
editing this copy changes nothing except your own understanding.
"""

import jax, jax.numpy as jnp
import numpy as np

N = 10000
E = 320000
D = 128
H = 128
NUM_GRAPHS = 64


def setup_inputs(seed: int = 0) -> dict:
    key = jax.random.key(seed)
    ks = jax.random.split(key, 12)
    x = jax.random.normal(ks[0], (N, D), dtype=jnp.float32)
    edge_index = jax.random.randint(ks[1], (2, E), 0, N, dtype=jnp.int32)
    batch = jnp.sort(jax.random.randint(ks[2], (N,), 0, NUM_GRAPHS, dtype=jnp.int32))
    s1 = 1.0 / np.sqrt(D)
    s2 = 1.0 / np.sqrt(H)
    W1a = jax.random.normal(ks[3], (D, H), dtype=jnp.float32) * s1
    b1a = jnp.zeros((H,), dtype=jnp.float32)
    W2a = jax.random.normal(ks[4], (H, H), dtype=jnp.float32) * s2
    b2a = jnp.zeros((H,), dtype=jnp.float32)
    W1b = jax.random.normal(ks[5], (H, H), dtype=jnp.float32) * s2
    b1b = jnp.zeros((H,), dtype=jnp.float32)
    W2b = jax.random.normal(ks[6], (H, H), dtype=jnp.float32) * s2
    b2b = jnp.zeros((H,), dtype=jnp.float32)
    return {"x": x, "edge_index": edge_index, "batch": batch,
            "W1a": W1a, "b1a": b1a, "W2a": W2a, "b2a": b2a,
            "W1b": W1b, "b1b": b1b, "W2b": W2b, "b2b": b2b}


def _gin_conv(x, edge_index, W1, b1, W2, b2, eps=0.0):
    # GINConv: nn((1+eps)*x + sum_{j in N(i)} x_j)
    src = edge_index[0]
    dst = edge_index[1]
    msgs = jnp.take(x, src, axis=0)               # gather (SparseCore)
    agg = jnp.zeros_like(x).at[dst].add(msgs)     # scatter-add (SparseCore)
    h = (1.0 + eps) * x + agg
    h = jnp.maximum(h @ W1 + b1, 0.0)
    h = h @ W2 + b2
    return h


def reference(x, edge_index, batch, W1a, b1a, W2a, b2a, W1b, b1b, W2b, b2b):
    h = jax.nn.relu(_gin_conv(x, edge_index, W1a, b1a, W2a, b2a))
    h = jax.nn.relu(_gin_conv(h, edge_index, W1b, b1b, W2b, b2b))
    # global_mean_pool over graph ids in `batch`
    sums = jax.ops.segment_sum(h, batch, num_segments=NUM_GRAPHS)
    counts = jax.ops.segment_sum(jnp.ones((h.shape[0], 1), dtype=h.dtype), batch, num_segments=NUM_GRAPHS)
    return sums / jnp.clip(counts, 1.0, None)

if __name__ == "__main__":
    import jax
    _d = setup_inputs()
    print(jax.jit(kernel)(*tuple(_d.values())))

</pallas_src>

<mosaic_0001>
#map = affine_map<(d0, d1) -> (0, 0)>
#map1 = affine_map<(d0, d1) -> (0)>
#map2 = affine_map<(d0, d1) -> (0, 0, 0)>
module attributes {stable_mosaic.version = 14 : i64} {
  func.func @_sc_aggregate(%arg0: i32, %arg1: i32, %arg2: memref<10000x128xf32, #tpu.memory_space<hbm>>, %arg3: memref<323584xi32, #tpu.memory_space<hbm>>, %arg4: memref<323584xi32, #tpu.memory_space<hbm>>, %arg5: memref<632x128xf32, #tpu.memory_space<hbm>>, %arg6: memref<2x10000x128xf32, #tpu.memory_space<hbm>>, %arg7: memref<128xi32, #tpu.memory_space<vmem>>, %arg8: memref<128xi32, #tpu.memory_space<vmem>>, %arg9: memref<128x128xf32, #tpu.memory_space<vmem>>, %arg10: memref<10112x128xf32, #tpu.memory_space<vmem_shared>>, %arg11: memref<!tpu.dma_semaphore, #tpu.memory_space<semaphore_mem>>) attributes {dimension_semantics = [#tpu.dimension_semantics<core_parallel>, #tpu.dimension_semantics<subcore_parallel>], iteration_bounds = array<i64: 2, 16>, scalar_prefetch = 0 : i64, scratch_operands = 5 : i64, tpu.core_type = #tpu.core_type<sc_vector_subcore>, window_params = [{transform_indices = #map}, {transform_indices = #map1}, {transform_indices = #map1}, {transform_indices = #map}, {transform_indices = #map2}]} {
    %mul3A = arith.constant 2 : i32
    %mul3A_0 = arith.muli %arg1, %mul3A : i32
    %add3A = arith.addi %mul3A_0, %arg0 : i32
    %mul3A_1 = arith.constant 632 : i32
    %mul3A_2 = arith.muli %arg1, %mul3A_1 : i32
    %eq3A = arith.constant 0 : i32
    %eq3A_3 = arith.cmpi eq, %arg0, %eq3A : i32
    %lt3A = arith.constant 15 : i32
    %lt3A_4 = arith.cmpi slt, %arg1, %lt3A : i32
    %and3A = arith.andi %eq3A_3, %lt3A_4 : i1
    %convert_element_type3A = arith.extui %and3A : i1 to i32
    %cond3A = arith.constant 0 : i32
    %cond3A_5 = arith.cmpi ne, %convert_element_type3A, %cond3A : i32
    scf.if %cond3A_5 {
      "tpu.region"() ({
        %run_scoped3A = tpu.sem_alloc : memref<!tpu.dma_semaphore, #tpu.memory_space<semaphore_mem>>
        %dma_start3A = arith.constant 0 : i32
        %dma_start3A_34 = tpu.memref_slice %arg10[%mul3A_2, %dma_start3A] : memref<10112x128xf32, #tpu.memory_space<vmem_shared>> -> memref<632x128xf32, #tpu.memory_space<vmem_shared>>
        %dma_start3A_35 = arith.constant 0 : i32
        %dma_start3A_36 = tpu.memref_slice %arg2[%mul3A_2, %dma_start3A_35] : memref<10000x128xf32, #tpu.memory_space<hbm>> -> memref<632x128xf32, #tpu.memory_space<hbm>>
        tpu.enqueue_dma source(%dma_start3A_36 : memref<632x128xf32, #tpu.memory_space<hbm>>) target(%dma_start3A_34 : memref<632x128xf32, #tpu.memory_space<vmem_shared>>) target_semaphore(%run_scoped3A : memref<!tpu.dma_semaphore, #tpu.memory_space<semaphore_mem>>)
        %dma_wait3A = arith.constant 0 : i32
        %dma_wait3A_37 = tpu.memref_slice %arg10[%mul3A_2, %dma_wait3A] : memref<10112x128xf32, #tpu.memory_space<vmem_shared>> -> memref<632x128xf32, #tpu.memory_space<vmem_shared>>
        %dma_wait3A_38 = arith.constant 0 : i32
        %dma_wait3A_39 = tpu.memref_slice %arg2[%mul3A_2, %dma_wait3A_38] : memref<10000x128xf32, #tpu.memory_space<hbm>> -> memref<632x128xf32, #tpu.memory_space<hbm>>
        tpu.wait_dma2 semaphore(%run_scoped3A : memref<!tpu.dma_semaphore, #tpu.memory_space<semaphore_mem>>) src(%dma_wait3A_39 : memref<632x128xf32, #tpu.memory_space<hbm>>) dst(%dma_wait3A_37 : memref<632x128xf32, #tpu.memory_space<vmem_shared>>)
        tpu.yield
      }) : () -> ()
    } else {
    }
    %eq3A_6 = arith.constant 0 : i32
    %eq3A_7 = arith.cmpi eq, %arg0, %eq3A_6 : i32
    %eq3A_8 = arith.constant 15 : i32
    %eq3A_9 = arith.cmpi eq, %arg1, %eq3A_8 : i32
    %and3A_10 = arith.andi %eq3A_7, %eq3A_9 : i1
    %convert_element_type3A_11 = arith.extui %and3A_10 : i1 to i32
    %cond3A_12 = arith.constant 0 : i32
    %cond3A_13 = arith.cmpi ne, %convert_element_type3A_11, %cond3A_12 : i32
    scf.if %cond3A_13 {
      "tpu.region"() ({
        %run_scoped3A = tpu.sem_alloc : memref<!tpu.dma_semaphore, #tpu.memory_space<semaphore_mem>>
        %dma_start3A = arith.constant 9480 : i32
        %dma_start3A_34 = arith.constant 0 : i32
        %dma_start3A_35 = tpu.memref_slice %arg10[%dma_start3A, %dma_start3A_34] : memref<10112x128xf32, #tpu.memory_space<vmem_shared>> -> memref<520x128xf32, #tpu.memory_space<vmem_shared>>
        %dma_start3A_36 = arith.constant 9480 : i32
        %dma_start3A_37 = arith.constant 0 : i32
        %dma_start3A_38 = tpu.memref_slice %arg2[%dma_start3A_36, %dma_start3A_37] : memref<10000x128xf32, #tpu.memory_space<hbm>> -> memref<520x128xf32, #tpu.memory_space<hbm>>
        tpu.enqueue_dma source(%dma_start3A_38 : memref<520x128xf32, #tpu.memory_space<hbm>>) target(%dma_start3A_35 : memref<520x128xf32, #tpu.memory_space<vmem_shared>>) target_semaphore(%run_scoped3A : memref<!tpu.dma_semaphore, #tpu.memory_space<semaphore_mem>>)
        %dma_wait3A = arith.constant 9480 : i32
        %dma_wait3A_39 = arith.constant 0 : i32
        %dma_wait3A_40 = tpu.memref_slice %arg10[%dma_wait3A, %dma_wait3A_39] : memref<10112x128xf32, #tpu.memory_space<vmem_shared>> -> memref<520x128xf32, #tpu.memory_space<vmem_shared>>
        %dma_wait3A_41 = arith.constant 9480 : i32
        %dma_wait3A_42 = arith.constant 0 : i32
        %dma_wait3A_43 = tpu.memref_slice %arg2[%dma_wait3A_41, %dma_wait3A_42] : memref<10000x128xf32, #tpu.memory_space<hbm>> -> memref<520x128xf32, #tpu.memory_space<hbm>>
        tpu.wait_dma2 semaphore(%run_scoped3A : memref<!tpu.dma_semaphore, #tpu.memory_space<semaphore_mem>>) src(%dma_wait3A_43 : memref<520x128xf32, #tpu.memory_space<hbm>>) dst(%dma_wait3A_40 : memref<520x128xf32, #tpu.memory_space<vmem_shared>>)
        tpu.yield
      }) : () -> ()
      "tpu.region"() ({
        %run_scoped3A = tpu.sem_alloc : memref<!tpu.dma_semaphore, #tpu.memory_space<semaphore_mem>>
        %dma_start3A = arith.constant 10000 : i32
        %dma_start3A_34 = arith.constant 0 : i32
        %dma_start3A_35 = tpu.memref_slice %arg10[%dma_start3A, %dma_start3A_34] : memref<10112x128xf32, #tpu.memory_space<vmem_shared>> -> memref<112x128xf32, #tpu.memory_space<vmem_shared>>
        %dma_start3A_36 = arith.constant 0 : i32
        %dma_start3A_37 = arith.constant 0 : i32
        %dma_start3A_38 = tpu.memref_slice %arg5[%dma_start3A_36, %dma_start3A_37] : memref<632x128xf32, #tpu.memory_space<hbm>> -> memref<112x128xf32, #tpu.memory_space<hbm>>
        tpu.enqueue_dma source(%dma_start3A_38 : memref<112x128xf32, #tpu.memory_space<hbm>>) target(%dma_start3A_35 : memref<112x128xf32, #tpu.memory_space<vmem_shared>>) target_semaphore(%run_scoped3A : memref<!tpu.dma_semaphore, #tpu.memory_space<semaphore_mem>>)
        %dma_wait3A = arith.constant 10000 : i32
        %dma_wait3A_39 = arith.constant 0 : i32
        %dma_wait3A_40 = tpu.memref_slice %arg10[%dma_wait3A, %dma_wait3A_39] : memref<10112x128xf32, #tpu.memory_space<vmem_shared>> -> memref<112x128xf32, #tpu.memory_space<vmem_shared>>
        %dma_wait3A_41 = arith.constant 0 : i32
        %dma_wait3A_42 = arith.constant 0 : i32
        %dma_wait3A_43 = tpu.memref_slice %arg5[%dma_wait3A_41, %dma_wait3A_42] : memref<632x128xf32, #tpu.memory_space<hbm>> -> memref<112x128xf32, #tpu.memory_space<hbm>>
        tpu.wait_dma2 semaphore(%run_scoped3A : memref<!tpu.dma_semaphore, #tpu.memory_space<semaphore_mem>>) src(%dma_wait3A_43 : memref<112x128xf32, #tpu.memory_space<hbm>>) dst(%dma_wait3A_40 : memref<112x128xf32, #tpu.memory_space<vmem_shared>>)
        tpu.yield
      }) : () -> ()
    } else {
    }
    %ne3A = arith.constant 0 : i32
    %ne3A_14 = arith.cmpi ne, %arg0, %ne3A : i32
    %convert_element_type3A_15 = arith.extui %ne3A_14 : i1 to i32
    %cond3A_16 = arith.constant 0 : i32
    %cond3A_17 = arith.cmpi ne, %convert_element_type3A_15, %cond3A_16 : i32
    scf.if %cond3A_17 {
      "tpu.region"() ({
        %run_scoped3A = tpu.sem_alloc : memref<!tpu.dma_semaphore, #tpu.memory_space<semaphore_mem>>
        %dma_start3A = arith.constant 0 : i32
        %dma_start3A_34 = tpu.memref_slice %arg10[%mul3A_2, %dma_start3A] : memref<10112x128xf32, #tpu.memory_space<vmem_shared>> -> memref<632x128xf32, #tpu.memory_space<vmem_shared>>
        tpu.enqueue_dma source(%arg5 : memref<632x128xf32, #tpu.memory_space<hbm>>) target(%dma_start3A_34 : memref<632x128xf32, #tpu.memory_space<vmem_shared>>) target_semaphore(%run_scoped3A : memref<!tpu.dma_semaphore, #tpu.memory_space<semaphore_mem>>)
        %dma_wait3A = arith.constant 0 : i32
        %dma_wait3A_35 = tpu.memref_slice %arg10[%mul3A_2, %dma_wait3A] : memref<10112x128xf32, #tpu.memory_space<vmem_shared>> -> memref<632x128xf32, #tpu.memory_space<vmem_shared>>
        tpu.wait_dma2 semaphore(%run_scoped3A : memref<!tpu.dma_semaphore, #tpu.memory_space<semaphore_mem>>) src(%arg5 : memref<632x128xf32, #tpu.memory_space<hbm>>) dst(%dma_wait3A_35 : memref<632x128xf32, #tpu.memory_space<vmem_shared>>)
        tpu.yield
      }) : () -> ()
    } else {
    }
    %barrier3A = arith.constant 0 : index
    tpu.barrier barrier_id(%barrier3A)
    %scan3A = arith.constant 0 : i32
    %scan3A_18 = arith.constant 0 : i32
    %scan3A_19 = arith.constant 79 : i32
    %scan3A_20 = arith.addi %scan3A_18, %scan3A_19 : i32
    %scan3A_21 = arith.constant 1 : i32
    scf.for %scan3A_34 = %scan3A_18 to %scan3A_20 step %scan3A_21  : i32 {
      %mul3A_35 = arith.constant 10112 : i32
      %mul3A_36 = arith.muli %add3A, %mul3A_35 : i32
      %mul3A_37 = arith.constant 128 : i32
      %mul3A_38 = arith.muli %scan3A_34, %mul3A_37 : i32
      %add3A_39 = arith.addi %mul3A_36, %mul3A_38 : i32
      "tpu.region"() ({
        %run_scoped3A = tpu.sem_alloc : memref<!tpu.dma_semaphore, #tpu.memory_space<semaphore_mem>>
        %dma_start3A_44 = tpu.memref_slice %arg3[%add3A_39] : memref<323584xi32, #tpu.memory_space<hbm>> -> memref<128xi32, #tpu.memory_space<hbm>>
        %dma_start3A_45 = tpu.memref_slice %arg3[%add3A_39] : memref<323584xi32, #tpu.memory_space<hbm>> -> memref<128xi32, #tpu.memory_space<hbm>>
        tpu.enqueue_dma source(%dma_start3A_45 : memref<128xi32, #tpu.memory_space<hbm>>) target(%arg7 : memref<128xi32, #tpu.memory_space<vmem>>) target_semaphore(%run_scoped3A : memref<!tpu.dma_semaphore, #tpu.memory_space<semaphore_mem>>)
        %dma_wait3A_46 = tpu.memref_slice %arg3[%add3A_39] : memref<323584xi32, #tpu.memory_space<hbm>> -> memref<128xi32, #tpu.memory_space<hbm>>
        %dma_wait3A_47 = tpu.memref_slice %arg3[%add3A_39] : memref<323584xi32, #tpu.memory_space<hbm>> -> memref<128xi32, #tpu.memory_space<hbm>>
        tpu.wait_dma2 semaphore(%run_scoped3A : memref<!tpu.dma_semaphore, #tpu.memory_space<semaphore_mem>>) src(%dma_wait3A_47 : memref<128xi32, #tpu.memory_space<hbm>>) dst(%arg7 : memref<128xi32, #tpu.memory_space<vmem>>)
        tpu.yield
      }) : () -> ()
      "tpu.region"() ({
        %run_scoped3A = tpu.sem_alloc : memref<!tpu.dma_semaphore, #tpu.memory_space<semaphore_mem>>
        %dma_start3A_44 = tpu.memref_slice %arg4[%add3A_39] : memref<323584xi32, #tpu.memory_space<hbm>> -> memref<128xi32, #tpu.memory_space<hbm>>
        %dma_start3A_45 = tpu.memref_slice %arg4[%add3A_39] : memref<323584xi32, #tpu.memory_space<hbm>> -> memref<128xi32, #tpu.memory_space<hbm>>
        tpu.enqueue_dma source(%dma_start3A_45 : memref<128xi32, #tpu.memory_space<hbm>>) target(%arg8 : memref<128xi32, #tpu.memory_space<vmem>>) target_semaphore(%run_scoped3A : memref<!tpu.dma_semaphore, #tpu.memory_space<semaphore_mem>>)
        %dma_wait3A_46 = tpu.memref_slice %arg4[%add3A_39] : memref<323584xi32, #tpu.memory_space<hbm>> -> memref<128xi32, #tpu.memory_space<hbm>>
        %dma_wait3A_47 = tpu.memref_slice %arg4[%add3A_39] : memref<323584xi32, #tpu.memory_space<hbm>> -> memref<128xi32, #tpu.memory_space<hbm>>
        tpu.wait_dma2 semaphore(%run_scoped3A : memref<!tpu.dma_semaphore, #tpu.memory_space<semaphore_mem>>) src(%dma_wait3A_47 : memref<128xi32, #tpu.memory_space<hbm>>) dst(%arg8 : memref<128xi32, #tpu.memory_space<vmem>>)
        tpu.yield
      }) : () -> ()
      %dma_start3A = arith.constant 0 : i32
      %dma_start3A_40 = arith.constant 0 : i32
      %dma_start3A_41 = tpu.memref_slice %arg2[%dma_start3A, %dma_start3A_40] : memref<10000x128xf32, #tpu.memory_space<hbm>> -> memref<10000x128xf32, #tpu.memory_space<hbm>>
      tpu.enqueue_indirect_dma source(%dma_start3A_41 : memref<10000x128xf32, #tpu.memory_space<hbm>>) target(%arg9 : memref<128x128xf32, #tpu.memory_space<vmem>>) offsets(%arg7 : memref<128xi32, #tpu.memory_space<vmem>>) semaphore(%arg11 : memref<!tpu.dma_semaphore, #tpu.memory_space<semaphore_mem>>)
      %dma_wait3A = arith.constant 0 : i32
      %dma_wait3A_42 = arith.constant 0 : i32
      %dma_wait3A_43 = tpu.memref_slice %arg2[%dma_wait3A, %dma_wait3A_42] : memref<10000x128xf32, #tpu.memory_space<hbm>> -> memref<10000x128xf32, #tpu.memory_space<hbm>>
      tpu.wait_indirect_dma semaphore(%arg11 : memref<!tpu.dma_semaphore, #tpu.memory_space<semaphore_mem>>) src(%dma_wait3A_43 : memref<10000x128xf32, #tpu.memory_space<hbm>>) dst(%arg9 : memref<128x128xf32, #tpu.memory_space<vmem>>)
      "tpu.region"() ({
        %run_scoped3A = tpu.sem_alloc : memref<!tpu.dma_semaphore, #tpu.memory_space<semaphore_mem>>
        %dma_start3A_44 = arith.constant 0 : i32
        %dma_start3A_45 = arith.constant 0 : i32
        %dma_start3A_46 = tpu.memref_slice %arg10[%dma_start3A_44, %dma_start3A_45] : memref<10112x128xf32, #tpu.memory_space<vmem_shared>> -> memref<10112x128xf32, #tpu.memory_space<vmem_shared>>
        tpu.enqueue_indirect_dma source(%arg9 : memref<128x128xf32, #tpu.memory_space<vmem>>) target(%dma_start3A_46 : memref<10112x128xf32, #tpu.memory_space<vmem_shared>>) offsets(%arg8 : memref<128xi32, #tpu.memory_space<vmem>>) semaphore(%run_scoped3A : memref<!tpu.dma_semaphore, #tpu.memory_space<semaphore_mem>>) {add = true}
        %dma_wait3A_47 = arith.constant 0 : i32
        %dma_wait3A_48 = arith.constant 0 : i32
        %dma_wait3A_49 = tpu.memref_slice %arg10[%dma_wait3A_47, %dma_wait3A_48] : memref<10112x128xf32, #tpu.memory_space<vmem_shared>> -> memref<10112x128xf32, #tpu.memory_space<vmem_shared>>
        tpu.wait_indirect_dma semaphore(%run_scoped3A : memref<!tpu.dma_semaphore, #tpu.memory_space<semaphore_mem>>) src(%arg9 : memref<128x128xf32, #tpu.memory_space<vmem>>) dst(%dma_wait3A_49 : memref<10112x128xf32, #tpu.memory_space<vmem_shared>>)
        tpu.yield
      }) : () -> ()
    }
    %scan3A_22 = arith.constant 79 : i32
    %barrier3A_23 = arith.constant 0 : index
    tpu.barrier barrier_id(%barrier3A_23)
    %lt3A_24 = arith.constant 15 : i32
    %lt3A_25 = arith.cmpi slt, %arg1, %lt3A_24 : i32
    %convert_element_type3A_26 = arith.extui %lt3A_25 : i1 to i32
    %cond3A_27 = arith.constant 0 : i32
    %cond3A_28 = arith.cmpi ne, %convert_element_type3A_26, %cond3A_27 : i32
    scf.if %cond3A_28 {
      "tpu.region"() ({
        %run_scoped3A = tpu.sem_alloc : memref<!tpu.dma_semaphore, #tpu.memory_space<semaphore_mem>>
        %dma_start3A = arith.constant 0 : i32
        %dma_start3A_34 = tpu.memref_slice %arg6[%arg0, %mul3A_2, %dma_start3A] : memref<2x10000x128xf32, #tpu.memory_space<hbm>> -> memref<1x632x128xf32, #tpu.memory_space<hbm>>
        %dma_start3A_35 = tpu.memref_squeeze %dma_start3A_34 : memref<1x632x128xf32, #tpu.memory_space<hbm>> -> memref<632x128xf32, #tpu.memory_space<hbm>>
        %dma_start3A_36 = arith.constant 0 : i32
        %dma_start3A_37 = tpu.memref_slice %arg10[%mul3A_2, %dma_start3A_36] : memref<10112x128xf32, #tpu.memory_space<vmem_shared>> -> memref<632x128xf32, #tpu.memory_space<vmem_shared>>
        tpu.enqueue_dma source(%dma_start3A_37 : memref<632x128xf32, #tpu.memory_space<vmem_shared>>) target(%dma_start3A_35 : memref<632x128xf32, #tpu.memory_space<hbm>>) target_semaphore(%run_scoped3A : memref<!tpu.dma_semaphore, #tpu.memory_space<semaphore_mem>>)
        %dma_wait3A = arith.constant 0 : i32
        %dma_wait3A_38 = tpu.memref_slice %arg6[%arg0, %mul3A_2, %dma_wait3A] : memref<2x10000x128xf32, #tpu.memory_space<hbm>> -> memref<1x632x128xf32, #tpu.memory_space<hbm>>
        %dma_wait3A_39 = tpu.memref_squeeze %dma_wait3A_38 : memref<1x632x128xf32, #tpu.memory_space<hbm>> -> memref<632x128xf32, #tpu.memory_space<hbm>>
        %dma_wait3A_40 = arith.constant 0 : i32
        %dma_wait3A_41 = tpu.memref_slice %arg10[%mul3A_2, %dma_wait3A_40] : memref<10112x128xf32, #tpu.memory_space<vmem_shared>> -> memref<632x128xf32, #tpu.memory_space<vmem_shared>>
        tpu.wait_dma2 semaphore(%run_scoped3A : memref<!tpu.dma_semaphore, #tpu.memory_space<semaphore_mem>>) src(%dma_wait3A_41 : memref<632x128xf32, #tpu.memory_space<vmem_shared>>) dst(%dma_wait3A_39 : memref<632x128xf32, #tpu.memory_space<hbm>>)
        tpu.yield
      }) : () -> ()
    } else {
    }
    %eq3A_29 = arith.constant 15 : i32
    %eq3A_30 = arith.cmpi eq, %arg1, %eq3A_29 : i32
    %convert_element_type3A_31 = arith.extui %eq3A_30 : i1 to i32
    %cond3A_32 = arith.constant 0 : i32
    %cond3A_33 = arith.cmpi ne, %convert_element_type3A_31, %cond3A_32 : i32
    scf.if %cond3A_33 {
      "tpu.region"() ({
        %run_scoped3A = tpu.sem_alloc : memref<!tpu.dma_semaphore, #tpu.memory_space<semaphore_mem>>
        %dma_start3A = arith.constant 9480 : i32
        %dma_start3A_34 = arith.constant 0 : i32
        %dma_start3A_35 = tpu.memref_slice %arg6[%arg0, %dma_start3A, %dma_start3A_34] : memref<2x10000x128xf32, #tpu.memory_space<hbm>> -> memref<1x520x128xf32, #tpu.memory_space<hbm>>
        %dma_start3A_36 = tpu.memref_squeeze %dma_start3A_35 : memref<1x520x128xf32, #tpu.memory_space<hbm>> -> memref<520x128xf32, #tpu.memory_space<hbm>>
        %dma_start3A_37 = arith.constant 9480 : i32
        %dma_start3A_38 = arith.constant 0 : i32
        %dma_start3A_39 = tpu.memref_slice %arg10[%dma_start3A_37, %dma_start3A_38] : memref<10112x128xf32, #tpu.memory_space<vmem_shared>> -> memref<520x128xf32, #tpu.memory_space<vmem_shared>>
        tpu.enqueue_dma source(%dma_start3A_39 : memref<520x128xf32, #tpu.memory_space<vmem_shared>>) target(%dma_start3A_36 : memref<520x128xf32, #tpu.memory_space<hbm>>) target_semaphore(%run_scoped3A : memref<!tpu.dma_semaphore, #tpu.memory_space<semaphore_mem>>)
        %dma_wait3A = arith.constant 9480 : i32
        %dma_wait3A_40 = arith.constant 0 : i32
        %dma_wait3A_41 = tpu.memref_slice %arg6[%arg0, %dma_wait3A, %dma_wait3A_40] : memref<2x10000x128xf32, #tpu.memory_space<hbm>> -> memref<1x520x128xf32, #tpu.memory_space<hbm>>
        %dma_wait3A_42 = tpu.memref_squeeze %dma_wait3A_41 : memref<1x520x128xf32, #tpu.memory_space<hbm>> -> memref<520x128xf32, #tpu.memory_space<hbm>>
        %dma_wait3A_43 = arith.constant 9480 : i32
        %dma_wait3A_44 = arith.constant 0 : i32
        %dma_wait3A_45 = tpu.memref_slice %arg10[%dma_wait3A_43, %dma_wait3A_44] : memref<10112x128xf32, #tpu.memory_space<vmem_shared>> -> memref<520x128xf32, #tpu.memory_space<vmem_shared>>
        tpu.wait_dma2 semaphore(%run_scoped3A : memref<!tpu.dma_semaphore, #tpu.memory_space<semaphore_mem>>) src(%dma_wait3A_45 : memref<520x128xf32, #tpu.memory_space<vmem_shared>>) dst(%dma_wait3A_42 : memref<520x128xf32, #tpu.memory_space<hbm>>)
        tpu.yield
      }) : () -> ()
    } else {
    }
    return
  }
}

#map = affine_map<(d0, d1) -> (0, 0)>
#map1 = affine_map<(d0, d1) -> (0)>
#map2 = affine_map<(d0, d1) -> (0, 0, 0)>
module attributes {stable_mosaic.version = 14 : i64} {
  func.func @_sc_aggregate(%arg0: i32, %arg1: i32, %arg2: memref<10000x128xf32, #tpu.memory_space<hbm>>, %arg3: memref<323584xi32, #tpu.memory_space<hbm>>, %arg4: memref<323584xi32, #tpu.memory_space<hbm>>, %arg5: memref<632x128xf32, #tpu.memory_space<hbm>>, %arg6: memref<2x10000x128xf32, #tpu.memory_space<hbm>>, %arg7: memref<128xi32, #tpu.memory_space<vmem>>, %arg8: memref<128xi32, #tpu.memory_space<vmem>>, %arg9: memref<128x128xf32, #tpu.memory_space<vmem>>, %arg10: memref<10112x128xf32, #tpu.memory_space<vmem_shared>>, %arg11: memref<!tpu.dma_semaphore, #tpu.memory_space<semaphore_mem>>) attributes {dimension_semantics = [#tpu.dimension_semantics<core_parallel>, #tpu.dimension_semantics<subcore_parallel>], iteration_bounds = array<i64: 2, 16>, scalar_prefetch = 0 : i64, scratch_operands = 5 : i64, tpu.core_type = #tpu.core_type<sc_vector_subcore>, window_params = [{transform_indices = #map}, {transform_indices = #map1}, {transform_indices = #map1}, {transform_indices = #map}, {transform_indices = #map2}]} {
    %mul3A = arith.constant 2 : i32
    %mul3A_0 = arith.muli %arg1, %mul3A : i32
    %add3A = arith.addi %mul3A_0, %arg0 : i32
    %mul3A_1 = arith.constant 632 : i32
    %mul3A_2 = arith.muli %arg1, %mul3A_1 : i32
    %eq3A = arith.constant 0 : i32
    %eq3A_3 = arith.cmpi eq, %arg0, %eq3A : i32
    %lt3A = arith.constant 15 : i32
    %lt3A_4 = arith.cmpi slt, %arg1, %lt3A : i32
    %and3A = arith.andi %eq3A_3, %lt3A_4 : i1
    %convert_element_type3A = arith.extui %and3A : i1 to i32
    %cond3A = arith.constant 0 : i32
    %cond3A_5 = arith.cmpi ne, %convert_element_type3A, %cond3A : i32
    scf.if %cond3A_5 {
      "tpu.region"() ({
        %run_scoped3A = tpu.sem_alloc : memref<!tpu.dma_semaphore, #tpu.memory_space<semaphore_mem>>
        %dma_start3A = arith.constant 0 : i32
        %dma_start3A_34 = tpu.memref_slice %arg10[%mul3A_2, %dma_start3A] : memref<10112x128xf32, #tpu.memory_space<vmem_shared>> -> memref<632x128xf32, #tpu.memory_space<vmem_shared>>
        %dma_start3A_35 = arith.constant 0 : i32
        %dma_start3A_36 = tpu.memref_slice %arg2[%mul3A_2, %dma_start3A_35] : memref<10000x128xf32, #tpu.memory_space<hbm>> -> memref<632x128xf32, #tpu.memory_space<hbm>>
        tpu.enqueue_dma source(%dma_start3A_36 : memref<632x128xf32, #tpu.memory_space<hbm>>) target(%dma_start3A_34 : memref<632x128xf32, #tpu.memory_space<vmem_shared>>) target_semaphore(%run_scoped3A : memref<!tpu.dma_semaphore, #tpu.memory_space<semaphore_mem>>)
        %dma_wait3A = arith.constant 0 : i32
        %dma_wait3A_37 = tpu.memref_slice %arg10[%mul3A_2, %dma_wait3A] : memref<10112x128xf32, #tpu.memory_space<vmem_shared>> -> memref<632x128xf32, #tpu.memory_space<vmem_shared>>
        %dma_wait3A_38 = arith.constant 0 : i32
        %dma_wait3A_39 = tpu.memref_slice %arg2[%mul3A_2, %dma_wait3A_38] : memref<10000x128xf32, #tpu.memory_space<hbm>> -> memref<632x128xf32, #tpu.memory_space<hbm>>
        tpu.wait_dma2 semaphore(%run_scoped3A : memref<!tpu.dma_semaphore, #tpu.memory_space<semaphore_mem>>) src(%dma_wait3A_39 : memref<632x128xf32, #tpu.memory_space<hbm>>) dst(%dma_wait3A_37 : memref<632x128xf32, #tpu.memory_space<vmem_shared>>)
        tpu.yield
      }) : () -> ()
    } else {
    }
    %eq3A_6 = arith.constant 0 : i32
    %eq3A_7 = arith.cmpi eq, %arg0, %eq3A_6 : i32
    %eq3A_8 = arith.constant 15 : i32
    %eq3A_9 = arith.cmpi eq, %arg1, %eq3A_8 : i32
    %and3A_10 = arith.andi %eq3A_7, %eq3A_9 : i1
    %convert_element_type3A_11 = arith.extui %and3A_10 : i1 to i32
    %cond3A_12 = arith.constant 0 : i32
    %cond3A_13 = arith.cmpi ne, %convert_element_type3A_11, %cond3A_12 : i32
    scf.if %cond3A_13 {
      "tpu.region"() ({
        %run_scoped3A = tpu.sem_alloc : memref<!tpu.dma_semaphore, #tpu.memory_space<semaphore_mem>>
        %dma_start3A = arith.constant 9480 : i32
        %dma_start3A_34 = arith.constant 0 : i32
        %dma_start3A_35 = tpu.memref_slice %arg10[%dma_start3A, %dma_start3A_34] : memref<10112x128xf32, #tpu.memory_space<vmem_shared>> -> memref<520x128xf32, #tpu.memory_space<vmem_shared>>
        %dma_start3A_36 = arith.constant 9480 : i32
        %dma_start3A_37 = arith.constant 0 : i32
        %dma_start3A_38 = tpu.memref_slice %arg2[%dma_start3A_36, %dma_start3A_37] : memref<10000x128xf32, #tpu.memory_space<hbm>> -> memref<520x128xf32, #tpu.memory_space<hbm>>
        tpu.enqueue_dma source(%dma_start3A_38 : memref<520x128xf32, #tpu.memory_space<hbm>>) target(%dma_start3A_35 : memref<520x128xf32, #tpu.memory_space<vmem_shared>>) target_semaphore(%run_scoped3A : memref<!tpu.dma_semaphore, #tpu.memory_space<semaphore_mem>>)
        %dma_wait3A = arith.constant 9480 : i32
        %dma_wait3A_39 = arith.constant 0 : i32
        %dma_wait3A_40 = tpu.memref_slice %arg10[%dma_wait3A, %dma_wait3A_39] : memref<10112x128xf32, #tpu.memory_space<vmem_shared>> -> memref<520x128xf32, #tpu.memory_space<vmem_shared>>
        %dma_wait3A_41 = arith.constant 9480 : i32
        %dma_wait3A_42 = arith.constant 0 : i32
        %dma_wait3A_43 = tpu.memref_slice %arg2[%dma_wait3A_41, %dma_wait3A_42] : memref<10000x128xf32, #tpu.memory_space<hbm>> -> memref<520x128xf32, #tpu.memory_space<hbm>>
        tpu.wait_dma2 semaphore(%run_scoped3A : memref<!tpu.dma_semaphore, #tpu.memory_space<semaphore_mem>>) src(%dma_wait3A_43 : memref<520x128xf32, #tpu.memory_space<hbm>>) dst(%dma_wait3A_40 : memref<520x128xf32, #tpu.memory_space<vmem_shared>>)
        tpu.yield
      }) : () -> ()
      "tpu.region"() ({
        %run_scoped3A = tpu.sem_alloc : memref<!tpu.dma_semaphore, #tpu.memory_space<semaphore_mem>>
        %dma_start3A = arith.constant 10000 : i32
        %dma_start3A_34 = arith.constant 0 : i32
        %dma_start3A_35 = tpu.memref_slice %arg10[%dma_start3A, %dma_start3A_34] : memref<10112x128xf32, #tpu.memory_space<vmem_shared>> -> memref<112x128xf32, #tpu.memory_space<vmem_shared>>
        %dma_start3A_36 = arith.constant 0 : i32
        %dma_start3A_37 = arith.constant 0 : i32
        %dma_start3A_38 = tpu.memref_slice %arg5[%dma_start3A_36, %dma_start3A_37] : memref<632x128xf32, #tpu.memory_space<hbm>> -> memref<112x128xf32, #tpu.memory_space<hbm>>
        tpu.enqueue_dma source(%dma_start3A_38 : memref<112x128xf32, #tpu.memory_space<hbm>>) target(%dma_start3A_35 : memref<112x128xf32, #tpu.memory_space<vmem_shared>>) target_semaphore(%run_scoped3A : memref<!tpu.dma_semaphore, #tpu.memory_space<semaphore_mem>>)
        %dma_wait3A = arith.constant 10000 : i32
        %dma_wait3A_39 = arith.constant 0 : i32
        %dma_wait3A_40 = tpu.memref_slice %arg10[%dma_wait3A, %dma_wait3A_39] : memref<10112x128xf32, #tpu.memory_space<vmem_shared>> -> memref<112x128xf32, #tpu.memory_space<vmem_shared>>
        %dma_wait3A_41 = arith.constant 0 : i32
        %dma_wait3A_42 = arith.constant 0 : i32
        %dma_wait3A_43 = tpu.memref_slice %arg5[%dma_wait3A_41, %dma_wait3A_42] : memref<632x128xf32, #tpu.memory_space<hbm>> -> memref<112x128xf32, #tpu.memory_space<hbm>>
        tpu.wait_dma2 semaphore(%run_scoped3A : memref<!tpu.dma_semaphore, #tpu.memory_space<semaphore_mem>>) src(%dma_wait3A_43 : memref<112x128xf32, #tpu.memory_space<hbm>>) dst(%dma_wait3A_40 : memref<112x128xf32, #tpu.memory_space<vmem_shared>>)
        tpu.yield
      }) : () -> ()
    } else {
    }
    %ne3A = arith.constant 0 : i32
    %ne3A_14 = arith.cmpi ne, %arg0, %ne3A : i32
    %convert_element_type3A_15 = arith.extui %ne3A_14 : i1 to i32
    %cond3A_16 = arith.constant 0 : i32
    %cond3A_17 = arith.cmpi ne, %convert_element_type3A_15, %cond3A_16 : i32
    scf.if %cond3A_17 {
      "tpu.region"() ({
        %run_scoped3A = tpu.sem_alloc : memref<!tpu.dma_semaphore, #tpu.memory_space<semaphore_mem>>
        %dma_start3A = arith.constant 0 : i32
        %dma_start3A_34 = tpu.memref_slice %arg10[%mul3A_2, %dma_start3A] : memref<10112x128xf32, #tpu.memory_space<vmem_shared>> -> memref<632x128xf32, #tpu.memory_space<vmem_shared>>
        tpu.enqueue_dma source(%arg5 : memref<632x128xf32, #tpu.memory_space<hbm>>) target(%dma_start3A_34 : memref<632x128xf32, #tpu.memory_space<vmem_shared>>) target_semaphore(%run_scoped3A : memref<!tpu.dma_semaphore, #tpu.memory_space<semaphore_mem>>)
        %dma_wait3A = arith.constant 0 : i32
        %dma_wait3A_35 = tpu.memref_slice %arg10[%mul3A_2, %dma_wait3A] : memref<10112x128xf32, #tpu.memory_space<vmem_shared>> -> memref<632x128xf32, #tpu.memory_space<vmem_shared>>
        tpu.wait_dma2 semaphore(%run_scoped3A : memref<!tpu.dma_semaphore, #tpu.memory_space<semaphore_mem>>) src(%arg5 : memref<632x128xf32, #tpu.memory_space<hbm>>) dst(%dma_wait3A_35 : memref<632x128xf32, #tpu.memory_space<vmem_shared>>)
        tpu.yield
      }) : () -> ()
    } else {
    }
    %barrier3A = arith.constant 0 : index
    tpu.barrier barrier_id(%barrier3A)
    %scan3A = arith.constant 0 : i32
    %scan3A_18 = arith.constant 0 : i32
    %scan3A_19 = arith.constant 79 : i32
    %scan3A_20 = arith.addi %scan3A_18, %scan3A_19 : i32
    %scan3A_21 = arith.constant 1 : i32
    scf.for %scan3A_34 = %scan3A_18 to %scan3A_20 step %scan3A_21  : i32 {
      %mul3A_35 = arith.constant 10112 : i32
      %mul3A_36 = arith.muli %add3A, %mul3A_35 : i32
      %mul3A_37 = arith.constant 128 : i32
      %mul3A_38 = arith.muli %scan3A_34, %mul3A_37 : i32
      %add3A_39 = arith.addi %mul3A_36, %mul3A_38 : i32
      "tpu.region"() ({
        %run_scoped3A = tpu.sem_alloc : memref<!tpu.dma_semaphore, #tpu.memory_space<semaphore_mem>>
        %dma_start3A_44 = tpu.memref_slice %arg3[%add3A_39] : memref<323584xi32, #tpu.memory_space<hbm>> -> memref<128xi32, #tpu.memory_space<hbm>>
        %dma_start3A_45 = tpu.memref_slice %arg3[%add3A_39] : memref<323584xi32, #tpu.memory_space<hbm>> -> memref<128xi32, #tpu.memory_space<hbm>>
        tpu.enqueue_dma source(%dma_start3A_45 : memref<128xi32, #tpu.memory_space<hbm>>) target(%arg7 : memref<128xi32, #tpu.memory_space<vmem>>) target_semaphore(%run_scoped3A : memref<!tpu.dma_semaphore, #tpu.memory_space<semaphore_mem>>)
        %dma_wait3A_46 = tpu.memref_slice %arg3[%add3A_39] : memref<323584xi32, #tpu.memory_space<hbm>> -> memref<128xi32, #tpu.memory_space<hbm>>
        %dma_wait3A_47 = tpu.memref_slice %arg3[%add3A_39] : memref<323584xi32, #tpu.memory_space<hbm>> -> memref<128xi32, #tpu.memory_space<hbm>>
        tpu.wait_dma2 semaphore(%run_scoped3A : memref<!tpu.dma_semaphore, #tpu.memory_space<semaphore_mem>>) src(%dma_wait3A_47 : memref<128xi32, #tpu.memory_space<hbm>>) dst(%arg7 : memref<128xi32, #tpu.memory_space<vmem>>)
        tpu.yield
      }) : () -> ()
      "tpu.region"() ({
        %run_scoped3A = tpu.sem_alloc : memref<!tpu.dma_semaphore, #tpu.memory_space<semaphore_mem>>
        %dma_start3A_44 = tpu.memref_slice %arg4[%add3A_39] : memref<323584xi32, #tpu.memory_space<hbm>> -> memref<128xi32, #tpu.memory_space<hbm>>
        %dma_start3A_45 = tpu.memref_slice %arg4[%add3A_39] : memref<323584xi32, #tpu.memory_space<hbm>> -> memref<128xi32, #tpu.memory_space<hbm>>
        tpu.enqueue_dma source(%dma_start3A_45 : memref<128xi32, #tpu.memory_space<hbm>>) target(%arg8 : memref<128xi32, #tpu.memory_space<vmem>>) target_semaphore(%run_scoped3A : memref<!tpu.dma_semaphore, #tpu.memory_space<semaphore_mem>>)
        %dma_wait3A_46 = tpu.memref_slice %arg4[%add3A_39] : memref<323584xi32, #tpu.memory_space<hbm>> -> memref<128xi32, #tpu.memory_space<hbm>>
        %dma_wait3A_47 = tpu.memref_slice %arg4[%add3A_39] : memref<323584xi32, #tpu.memory_space<hbm>> -> memref<128xi32, #tpu.memory_space<hbm>>
        tpu.wait_dma2 semaphore(%run_scoped3A : memref<!tpu.dma_semaphore, #tpu.memory_space<semaphore_mem>>) src(%dma_wait3A_47 : memref<128xi32, #tpu.memory_space<hbm>>) dst(%arg8 : memref<128xi32, #tpu.memory_space<vmem>>)
        tpu.yield
      }) : () -> ()
      %dma_start3A = arith.constant 0 : i32
      %dma_start3A_40 = arith.constant 0 : i32
      %dma_start3A_41 = tpu.memref_slice %arg2[%dma_start3A, %dma_start3A_40] : memref<10000x128xf32, #tpu.memory_space<hbm>> -> memref<10000x128xf32, #tpu.memory_space<hbm>>
      tpu.enqueue_indirect_dma source(%dma_start3A_41 : memref<10000x128xf32, #tpu.memory_space<hbm>>) target(%arg9 : memref<128x128xf32, #tpu.memory_space<vmem>>) offsets(%arg7 : memref<128xi32, #tpu.memory_space<vmem>>) semaphore(%arg11 : memref<!tpu.dma_semaphore, #tpu.memory_space<semaphore_mem>>)
      %dma_wait3A = arith.constant 0 : i32
      %dma_wait3A_42 = arith.constant 0 : i32
      %dma_wait3A_43 = tpu.memref_slice %arg2[%dma_wait3A, %dma_wait3A_42] : memref<10000x128xf32, #tpu.memory_space<hbm>> -> memref<10000x128xf32, #tpu.memory_space<hbm>>
      tpu.wait_indirect_dma semaphore(%arg11 : memref<!tpu.dma_semaphore, #tpu.memory_space<semaphore_mem>>) src(%dma_wait3A_43 : memref<10000x128xf32, #tpu.memory_space<hbm>>) dst(%arg9 : memref<128x128xf32, #tpu.memory_space<vmem>>)
      "tpu.region"() ({
        %run_scoped3A = tpu.sem_alloc : memref<!tpu.dma_semaphore, #tpu.memory_space<semaphore_mem>>
        %dma_start3A_44 = arith.constant 0 : i32
        %dma_start3A_45 = arith.constant 0 : i32
        %dma_start3A_46 = tpu.memref_slice %arg10[%dma_start3A_44, %dma_start3A_45] : memref<10112x128xf32, #tpu.memory_space<vmem_shared>> -> memref<10112x128xf32, #tpu.memory_space<vmem_shared>>
        tpu.enqueue_indirect_dma source(%arg9 : memref<128x128xf32, #tpu.memory_space<vmem>>) target(%dma_start3A_46 : memref<10112x128xf32, #tpu.memory_space<vmem_shared>>) offsets(%arg8 : memref<128xi32, #tpu.memory_space<vmem>>) semaphore(%run_scoped3A : memref<!tpu.dma_semaphore, #tpu.memory_space<semaphore_mem>>) {add = true}
        %dma_wait3A_47 = arith.constant 0 : i32
        %dma_wait3A_48 = arith.constant 0 : i32
        %dma_wait3A_49 = tpu.memref_slice %arg10[%dma_wait3A_47, %dma_wait3A_48] : memref<10112x128xf32, #tpu.memory_space<vmem_shared>> -> memref<10112x128xf32, #tpu.memory_space<vmem_shared>>
        tpu.wait_indirect_dma semaphore(%run_scoped3A : memref<!tpu.dma_semaphore, #tpu.memory_space<semaphore_mem>>) src(%arg9 : memref<128x128xf32, #tpu.memory_space<vmem>>) dst(%dma_wait3A_49 : memref<10112x128xf32, #tpu.memory_space<vmem_shared>>)
        tpu.yield
      }) : () -> ()
    }
    %scan3A_22 = arith.constant 79 : i32
    %barrier3A_23 = arith.constant 0 : index
    tpu.barrier barrier_id(%barrier3A_23)
    %lt3A_24 = arith.constant 15 : i32
    %lt3A_25 = arith.cmpi slt, %arg1, %lt3A_24 : i32
    %convert_element_type3A_26 = arith.extui %lt3A_25 : i1 to i32
    %cond3A_27 = arith.constant 0 : i32
    %cond3A_28 = arith.cmpi ne, %convert_element_type3A_26, %cond3A_27 : i32
    scf.if %cond3A_28 {
      "tpu.region"() ({
        %run_scoped3A = tpu.sem_alloc : memref<!tpu.dma_semaphore, #tpu.memory_space<semaphore_mem>>
        %dma_start3A = arith.constant 0 : i32
        %dma_start3A_34 = tpu.memref_slice %arg6[%arg0, %mul3A_2, %dma_start3A] : memref<2x10000x128xf32, #tpu.memory_space<hbm>> -> memref<1x632x128xf32, #tpu.memory_space<hbm>>
        %dma_start3A_35 = tpu.memref_squeeze %dma_start3A_34 : memref<1x632x128xf32, #tpu.memory_space<hbm>> -> memref<632x128xf32, #tpu.memory_space<hbm>>
        %dma_start3A_36 = arith.constant 0 : i32
        %dma_start3A_37 = tpu.memref_slice %arg10[%mul3A_2, %dma_start3A_36] : memref<10112x128xf32, #tpu.memory_space<vmem_shared>> -> memref<632x128xf32, #tpu.memory_space<vmem_shared>>
        tpu.enqueue_dma source(%dma_start3A_37 : memref<632x128xf32, #tpu.memory_space<vmem_shared>>) target(%dma_start3A_35 : memref<632x128xf32, #tpu.memory_space<hbm>>) target_semaphore(%run_scoped3A : memref<!tpu.dma_semaphore, #tpu.memory_space<semaphore_mem>>)
        %dma_wait3A = arith.constant 0 : i32
        %dma_wait3A_38 = tpu.memref_slice %arg6[%arg0, %mul3A_2, %dma_wait3A] : memref<2x10000x128xf32, #tpu.memory_space<hbm>> -> memref<1x632x128xf32, #tpu.memory_space<hbm>>
        %dma_wait3A_39 = tpu.memref_squeeze %dma_wait3A_38 : memref<1x632x128xf32, #tpu.memory_space<hbm>> -> memref<632x128xf32, #tpu.memory_space<hbm>>
        %dma_wait3A_40 = arith.constant 0 : i32
        %dma_wait3A_41 = tpu.memref_slice %arg10[%mul3A_2, %dma_wait3A_40] : memref<10112x128xf32, #tpu.memory_space<vmem_shared>> -> memref<632x128xf32, #tpu.memory_space<vmem_shared>>
        tpu.wait_dma2 semaphore(%run_scoped3A : memref<!tpu.dma_semaphore, #tpu.memory_space<semaphore_mem>>) src(%dma_wait3A_41 : memref<632x128xf32, #tpu.memory_space<vmem_shared>>) dst(%dma_wait3A_39 : memref<632x128xf32, #tpu.memory_space<hbm>>)
        tpu.yield
      }) : () -> ()
    } else {
    }
    %eq3A_29 = arith.constant 15 : i32
    %eq3A_30 = arith.cmpi eq, %arg1, %eq3A_29 : i32
    %convert_element_type3A_31 = arith.extui %eq3A_30 : i1 to i32
    %cond3A_32 = arith.constant 0 : i32
    %cond3A_33 = arith.cmpi ne, %convert_element_type3A_31, %cond3A_32 : i32
    scf.if %cond3A_33 {
      "tpu.region"() ({
        %run_scoped3A = tpu.sem_alloc : memref<!tpu.dma_semaphore, #tpu.memory_space<semaphore_mem>>
        %dma_start3A = arith.constant 9480 : i32
        %dma_start3A_34 = arith.constant 0 : i32
        %dma_start3A_35 = tpu.memref_slice %arg6[%arg0, %dma_start3A, %dma_start3A_34] : memref<2x10000x128xf32, #tpu.memory_space<hbm>> -> memref<1x520x128xf32, #tpu.memory_space<hbm>>
        %dma_start3A_36 = tpu.memref_squeeze %dma_start3A_35 : memref<1x520x128xf32, #tpu.memory_space<hbm>> -> memref<520x128xf32, #tpu.memory_space<hbm>>
        %dma_start3A_37 = arith.constant 9480 : i32
        %dma_start3A_38 = arith.constant 0 : i32
        %dma_start3A_39 = tpu.memref_slice %arg10[%dma_start3A_37, %dma_start3A_38] : memref<10112x128xf32, #tpu.memory_space<vmem_shared>> -> memref<520x128xf32, #tpu.memory_space<vmem_shared>>
        tpu.enqueue_dma source(%dma_start3A_39 : memref<520x128xf32, #tpu.memory_space<vmem_shared>>) target(%dma_start3A_36 : memref<520x128xf32, #tpu.memory_space<hbm>>) target_semaphore(%run_scoped3A : memref<!tpu.dma_semaphore, #tpu.memory_space<semaphore_mem>>)
        %dma_wait3A = arith.constant 9480 : i32
        %dma_wait3A_40 = arith.constant 0 : i32
        %dma_wait3A_41 = tpu.memref_slice %arg6[%arg0, %dma_wait3A, %dma_wait3A_40] : memref<2x10000x128xf32, #tpu.memory_space<hbm>> -> memref<1x520x128xf32, #tpu.memory_space<hbm>>
        %dma_wait3A_42 = tpu.memref_squeeze %dma_wait3A_41 : memref<1x520x128xf32, #tpu.memory_space<hbm>> -> memref<520x128xf32, #tpu.memory_space<hbm>>
        %dma_wait3A_43 = arith.constant 9480 : i32
        %dma_wait3A_44 = arith.constant 0 : i32
        %dma_wait3A_45 = tpu.memref_slice %arg10[%dma_wait3A_43, %dma_wait3A_44] : memref<10112x128xf32, #tpu.memory_space<vmem_shared>> -> memref<520x128xf32, #tpu.memory_space<vmem_shared>>
        tpu.wait_dma2 semaphore(%run_scoped3A : memref<!tpu.dma_semaphore, #tpu.memory_space<semaphore_mem>>) src(%dma_wait3A_45 : memref<520x128xf32, #tpu.memory_space<vmem_shared>>) dst(%dma_wait3A_42 : memref<520x128xf32, #tpu.memory_space<hbm>>)
        tpu.yield
      }) : () -> ()
    } else {
    }
    return
  }
}

module attributes {stable_mosaic.version = 14 : i64} {
  func.func @_mlp_kernel(%arg0: i32, %arg1: memref<2x1000x128xf32, #tpu.memory_space<vmem>>, %arg2: memref<128x128xf32, #tpu.memory_space<vmem>>, %arg3: memref<1x128xf32, #tpu.memory_space<vmem>>, %arg4: memref<128x128xf32, #tpu.memory_space<vmem>>, %arg5: memref<1x128xf32, #tpu.memory_space<vmem>>, %arg6: memref<1000x128xf32, #tpu.memory_space<vmem>>) attributes {dimension_semantics = [#tpu.dimension_semantics<arbitrary>], iteration_bounds = array<i64: 10>, scalar_prefetch = 0 : i64, scratch_operands = 0 : i64, tpu.core_type = #tpu.core_type<tc>, window_params = [{transform_indices = @transform_0, window_bounds = array<i64: 2, 1000, 128>}, {pipeline_mode = #tpu.pipeline_mode<synchronous>, transform_indices = @transform_1, window_bounds = array<i64: 128, 128>}, {pipeline_mode = #tpu.pipeline_mode<synchronous>, transform_indices = @transform_2, window_bounds = array<i64: 1, 128>}, {pipeline_mode = #tpu.pipeline_mode<synchronous>, transform_indices = @transform_3, window_bounds = array<i64: 128, 128>}, {pipeline_mode = #tpu.pipeline_mode<synchronous>, transform_indices = @transform_4, window_bounds = array<i64: 1, 128>}, {transform_indices = @transform_5, window_bounds = array<i64: 1000, 128>}]} {
    %get3A = arith.constant 0 : index
    %get3A_0 = arith.constant 0 : index
    %get3A_1 = arith.constant 0 : index
    %get3A_2 = vector.load %arg1[%get3A, %get3A_0, %get3A_1] : memref<2x1000x128xf32, #tpu.memory_space<vmem>>, vector<1x1000x128xf32>
    %get3A_3 = vector.shape_cast %get3A_2 : vector<1x1000x128xf32> to vector<1000x128xf32>
    %get3A_4 = arith.constant 1 : index
    %get3A_5 = arith.constant 0 : index
    %get3A_6 = arith.constant 0 : index
    %get3A_7 = vector.load %arg1[%get3A_4, %get3A_5, %get3A_6] : memref<2x1000x128xf32, #tpu.memory_space<vmem>>, vector<1x1000x128xf32>
    %get3A_8 = vector.shape_cast %get3A_7 : vector<1x1000x128xf32> to vector<1000x128xf32>
    %add3A = arith.addf %get3A_3, %get3A_8 : vector<1000x128xf32>
    %get3A_9 = arith.constant 0 : index
    %get3A_10 = arith.constant 0 : index
    %get3A_11 = vector.load %arg2[%get3A_9, %get3A_10] : memref<128x128xf32, #tpu.memory_space<vmem>>, vector<128x128xf32>
    %dot_general3A = arith.constant dense<0.000000e+00> : vector<1000x128xf32>
    %dot_general3A_12 = tpu.matmul %add3A, %get3A_11, %dot_general3A {dimension_numbers = #tpu.dot_dimension_numbers<[1], [0], [0], [1], [0, 0, 1, 1], [], []>, transpose_lhs_hint = false} : vector<1000x128xf32>, vector<128x128xf32>, vector<1000x128xf32> -> vector<1000x128xf32>
    %get3A_13 = arith.constant 0 : index
    %get3A_14 = arith.constant 0 : index
    %get3A_15 = vector.load %arg3[%get3A_13, %get3A_14] : memref<1x128xf32, #tpu.memory_space<vmem>>, vector<1x128xf32>
    %add3A_16 = vector.broadcast %get3A_15 : vector<1x128xf32> to vector<1000x128xf32>
    %add3A_17 = arith.addf %dot_general3A_12, %add3A_16 : vector<1000x128xf32>
    %max3A = arith.constant 0.000000e+00 : f32
    %max3A_18 = vector.broadcast %max3A : f32 to vector<1000x128xf32>
    %max3A_19 = arith.maximumf %add3A_17, %max3A_18 : vector<1000x128xf32>
    %get3A_20 = arith.constant 0 : index
    %get3A_21 = arith.constant 0 : index
    %get3A_22 = vector.load %arg4[%get3A_20, %get3A_21] : memref<128x128xf32, #tpu.memory_space<vmem>>, vector<128x128xf32>
    %dot_general3A_23 = arith.constant dense<0.000000e+00> : vector<1000x128xf32>
    %dot_general3A_24 = tpu.matmul %max3A_19, %get3A_22, %dot_general3A_23 {dimension_numbers = #tpu.dot_dimension_numbers<[1], [0], [0], [1], [0, 0, 1, 1], [], []>, transpose_lhs_hint = false} : vector<1000x128xf32>, vector<128x128xf32>, vector<1000x128xf32> -> vector<1000x128xf32>
    %get3A_25 = arith.constant 0 : index
    %get3A_26 = arith.constant 0 : index
    %get3A_27 = vector.load %arg5[%get3A_25, %get3A_26] : memref<1x128xf32, #tpu.memory_space<vmem>>, vector<1x128xf32>
    %add3A_28 = vector.broadcast %get3A_27 : vector<1x128xf32> to vector<1000x128xf32>
    %add3A_29 = arith.addf %dot_general3A_24, %add3A_28 : vector<1000x128xf32>
    %max3A_30 = arith.constant 0.000000e+00 : f32
    %max3A_31 = vector.broadcast %max3A_30 : f32 to vector<1000x128xf32>
    %max3A_32 = arith.maximumf %add3A_29, %max3A_31 : vector<1000x128xf32>
    %swap3A = arith.constant 0 : index
    %swap3A_33 = arith.constant 0 : index
    %swap3A_34 = vector.load %arg6[%swap3A, %swap3A_33] : memref<1000x128xf32, #tpu.memory_space<vmem>>, vector<1000x128xf32>
    tpu.vector_store %arg6[%swap3A, %swap3A_33], %max3A_32 {strides = array<i32>} : memref<1000x128xf32, #tpu.memory_space<vmem>>, vector<1000x128xf32>,
    return
  }
  func.func @transform_0(%arg0: i32) -> (i32, i32, i32) {
    %c0_i32 = arith.constant 0 : i32
    %c0_i32_0 = arith.constant 0 : i32
    %c0_i32_1 = arith.constant 0 : i32
    return %c0_i32, %arg0, %c0_i32_0 : i32, i32, i32
  }
  func.func @transform_1(%arg0: i32) -> (i32, i32) {
    %c0_i32 = arith.constant 0 : i32
    %c0_i32_0 = arith.constant 0 : i32
    %c0_i32_1 = arith.constant 0 : i32
    return %c0_i32, %c0_i32_0 : i32, i32
  }
  func.func @transform_2(%arg0: i32) -> (i32, i32) {
    %c0_i32 = arith.constant 0 : i32
    %c0_i32_0 = arith.constant 0 : i32
    %c0_i32_1 = arith.constant 0 : i32
    return %c0_i32, %c0_i32_0 : i32, i32
  }
  func.func @transform_3(%arg0: i32) -> (i32, i32) {
    %c0_i32 = arith.constant 0 : i32
    %c0_i32_0 = arith.constant 0 : i32
    %c0_i32_1 = arith.constant 0 : i32
    return %c0_i32, %c0_i32_0 : i32, i32
  }
  func.func @transform_4(%arg0: i32) -> (i32, i32) {
    %c0_i32 = arith.constant 0 : i32
    %c0_i32_0 = arith.constant 0 : i32
    %c0_i32_1 = arith.constant 0 : i32
    return %c0_i32, %c0_i32_0 : i32, i32
  }
  func.func @transform_5(%arg0: i32) -> (i32, i32) {
    %c0_i32 = arith.constant 0 : i32
    %c0_i32_0 = arith.constant 0 : i32
    return %arg0, %c0_i32 : i32, i32
  }
}

module attributes {stable_mosaic.version = 14 : i64} {
  func.func @_mlp_pool_kernel(%arg0: i32, %arg1: memref<2x1000x128xf32, #tpu.memory_space<vmem>>, %arg2: memref<128x128xf32, #tpu.memory_space<vmem>>, %arg3: memref<1x128xf32, #tpu.memory_space<vmem>>, %arg4: memref<128x128xf32, #tpu.memory_space<vmem>>, %arg5: memref<1x128xf32, #tpu.memory_space<vmem>>, %arg6: memref<1x1x1000xi32, #tpu.memory_space<vmem>>, %arg7: memref<64x128xf32, #tpu.memory_space<vmem>>, %arg8: memref<64x128xf32, #tpu.memory_space<vmem>>) attributes {dimension_semantics = [#tpu.dimension_semantics<arbitrary>], iteration_bounds = array<i64: 10>, scalar_prefetch = 0 : i64, scratch_operands = 1 : i64, tpu.core_type = #tpu.core_type<tc>, window_params = [{transform_indices = @transform_0, window_bounds = array<i64: 2, 1000, 128>}, {pipeline_mode = #tpu.pipeline_mode<synchronous>, transform_indices = @transform_1, window_bounds = array<i64: 128, 128>}, {pipeline_mode = #tpu.pipeline_mode<synchronous>, transform_indices = @transform_2, window_bounds = array<i64: 1, 128>}, {pipeline_mode = #tpu.pipeline_mode<synchronous>, transform_indices = @transform_3, window_bounds = array<i64: 128, 128>}, {pipeline_mode = #tpu.pipeline_mode<synchronous>, transform_indices = @transform_4, window_bounds = array<i64: 1, 128>}, {transform_indices = @transform_5, window_bounds = array<i64: 1, 1, 1000>}, {pipeline_mode = #tpu.pipeline_mode<synchronous>, transform_indices = @transform_6, window_bounds = array<i64: 64, 128>}]} {
    %eq3A = arith.constant 0 : i32
    %eq3A_0 = arith.cmpi eq, %arg0, %eq3A : i32
    %convert_element_type3A = arith.extui %eq3A_0 : i1 to i32
    %cond3A = arith.constant 0 : i32
    %cond3A_1 = arith.cmpi ne, %convert_element_type3A, %cond3A : i32
    scf.if %cond3A_1 {
      %broadcast_in_dim3A_67 = arith.constant 0.000000e+00 : f32
      %broadcast_in_dim3A_68 = vector.broadcast %broadcast_in_dim3A_67 : f32 to vector<64x128xf32>
      %swap3A_69 = arith.constant 0 : index
      %swap3A_70 = arith.constant 0 : index
      %swap3A_71 = vector.load %arg7[%swap3A_69, %swap3A_70] : memref<64x128xf32, #tpu.memory_space<vmem>>, vector<64x128xf32>
      tpu.vector_store %arg7[%swap3A_69, %swap3A_70], %broadcast_in_dim3A_68 {strides = array<i32>} : memref<64x128xf32, #tpu.memory_space<vmem>>, vector<64x128xf32>,
      %broadcast_in_dim3A_72 = arith.constant 0.000000e+00 : f32
      %broadcast_in_dim3A_73 = vector.broadcast %broadcast_in_dim3A_72 : f32 to vector<64x128xf32>
      %swap3A_74 = arith.constant 0 : index
      %swap3A_75 = arith.constant 0 : index
      %swap3A_76 = vector.load %arg8[%swap3A_74, %swap3A_75] : memref<64x128xf32, #tpu.memory_space<vmem>>, vector<64x128xf32>
      tpu.vector_store %arg8[%swap3A_74, %swap3A_75], %broadcast_in_dim3A_73 {strides = array<i32>} : memref<64x128xf32, #tpu.memory_space<vmem>>, vector<64x128xf32>,
    } else {
    }
    %get3A = arith.constant 0 : index
    %get3A_2 = arith.constant 0 : index
    %get3A_3 = arith.constant 0 : index
    %get3A_4 = vector.load %arg1[%get3A, %get3A_2, %get3A_3] : memref<2x1000x128xf32, #tpu.memory_space<vmem>>, vector<1x1000x128xf32>
    %get3A_5 = vector.shape_cast %get3A_4 : vector<1x1000x128xf32> to vector<1000x128xf32>
    %get3A_6 = arith.constant 1 : index
    %get3A_7 = arith.constant 0 : index
    %get3A_8 = arith.constant 0 : index
    %get3A_9 = vector.load %arg1[%get3A_6, %get3A_7, %get3A_8] : memref<2x1000x128xf32, #tpu.memory_space<vmem>>, vector<1x1000x128xf32>
    %get3A_10 = vector.shape_cast %get3A_9 : vector<1x1000x128xf32> to vector<1000x128xf32>
    %add3A = arith.addf %get3A_5, %get3A_10 : vector<1000x128xf32>
    %get3A_11 = arith.constant 0 : index
    %get3A_12 = arith.constant 0 : index
    %get3A_13 = vector.load %arg2[%get3A_11, %get3A_12] : memref<128x128xf32, #tpu.memory_space<vmem>>, vector<128x128xf32>
    %dot_general3A = arith.constant dense<0.000000e+00> : vector<1000x128xf32>
    %dot_general3A_14 = tpu.matmul %add3A, %get3A_13, %dot_general3A {dimension_numbers = #tpu.dot_dimension_numbers<[1], [0], [0], [1], [0, 0, 1, 1], [], []>, transpose_lhs_hint = false} : vector<1000x128xf32>, vector<128x128xf32>, vector<1000x128xf32> -> vector<1000x128xf32>
    %get3A_15 = arith.constant 0 : index
    %get3A_16 = arith.constant 0 : index
    %get3A_17 = vector.load %arg3[%get3A_15, %get3A_16] : memref<1x128xf32, #tpu.memory_space<vmem>>, vector<1x128xf32>
    %add3A_18 = vector.broadcast %get3A_17 : vector<1x128xf32> to vector<1000x128xf32>
    %add3A_19 = arith.addf %dot_general3A_14, %add3A_18 : vector<1000x128xf32>
    %max3A = arith.constant 0.000000e+00 : f32
    %max3A_20 = vector.broadcast %max3A : f32 to vector<1000x128xf32>
    %max3A_21 = arith.maximumf %add3A_19, %max3A_20 : vector<1000x128xf32>
    %get3A_22 = arith.constant 0 : index
    %get3A_23 = arith.constant 0 : index
    %get3A_24 = vector.load %arg4[%get3A_22, %get3A_23] : memref<128x128xf32, #tpu.memory_space<vmem>>, vector<128x128xf32>
    %dot_general3A_25 = arith.constant dense<0.000000e+00> : vector<1000x128xf32>
    %dot_general3A_26 = tpu.matmul %max3A_21, %get3A_24, %dot_general3A_25 {dimension_numbers = #tpu.dot_dimension_numbers<[1], [0], [0], [1], [0, 0, 1, 1], [], []>, transpose_lhs_hint = false} : vector<1000x128xf32>, vector<128x128xf32>, vector<1000x128xf32> -> vector<1000x128xf32>
    %get3A_27 = arith.constant 0 : index
    %get3A_28 = arith.constant 0 : index
    %get3A_29 = vector.load %arg5[%get3A_27, %get3A_28] : memref<1x128xf32, #tpu.memory_space<vmem>>, vector<1x128xf32>
    %add3A_30 = vector.broadcast %get3A_29 : vector<1x128xf32> to vector<1000x128xf32>
    %add3A_31 = arith.addf %dot_general3A_26, %add3A_30 : vector<1000x128xf32>
    %max3A_32 = arith.constant 0.000000e+00 : f32
    %max3A_33 = vector.broadcast %max3A_32 : f32 to vector<1000x128xf32>
    %max3A_34 = arith.maximumf %add3A_31, %max3A_33 : vector<1000x128xf32>
    %get3A_35 = arith.constant 0 : index
    %get3A_36 = arith.constant 0 : index
    %get3A_37 = arith.constant 0 : index
    %get3A_38 = vector.load %arg6[%get3A_35, %get3A_36, %get3A_37] : memref<1x1x1000xi32, #tpu.memory_space<vmem>>, vector<1x1x1000xi32>
    %get3A_39 = vector.shape_cast %get3A_38 : vector<1x1x1000xi32> to vector<1000xi32>
    %broadcast_in_dim3A = vector.shape_cast %get3A_39 : vector<1000xi32> to vector<1000x1xi32>
    %iota3A = tpu.iota {dimensions = array<i32: 1>} : vector<1000x64xi32>
    %eq3A_40 = vector.broadcast %broadcast_in_dim3A : vector<1000x1xi32> to vector<1000x64xi32>
    %eq3A_41 = arith.cmpi eq, %eq3A_40, %iota3A : vector<1000x64xi32>
    %convert_element_type3A_42 = arith.extui %eq3A_41 : vector<1000x64xi1> to vector<1000x64xi32>
    %convert_element_type3A_43 = arith.sitofp %convert_element_type3A_42 : vector<1000x64xi32> to vector<1000x64xf32>
    %get3A_44 = arith.constant 0 : index
    %get3A_45 = arith.constant 0 : index
    %get3A_46 = vector.load %arg7[%get3A_44, %get3A_45] : memref<64x128xf32, #tpu.memory_space<vmem>>, vector<64x128xf32>
    %dot_general3A_47 = arith.constant dense<0.000000e+00> : vector<64x128xf32>
    %dot_general3A_48 = tpu.matmul %convert_element_type3A_43, %max3A_34, %dot_general3A_47 {dimension_numbers = #tpu.dot_dimension_numbers<[0], [0], [1], [1], [0, 1, 1, 1], [], []>, transpose_lhs_hint = false} : vector<1000x64xf32>, vector<1000x128xf32>, vector<64x128xf32> -> vector<64x128xf32>
    %add3A_49 = arith.addf %get3A_46, %dot_general3A_48 : vector<64x128xf32>
    %swap3A = arith.constant 0 : index
    %swap3A_50 = arith.constant 0 : index
    %swap3A_51 = vector.load %arg7[%swap3A, %swap3A_50] : memref<64x128xf32, #tpu.memory_space<vmem>>, vector<64x128xf32>
    tpu.vector_store %arg7[%swap3A, %swap3A_50], %add3A_49 {strides = array<i32>} : memref<64x128xf32, #tpu.memory_space<vmem>>, vector<64x128xf32>,
    %get3A_52 = arith.constant 0 : index
    %get3A_53 = arith.constant 0 : index
    %get3A_54 = vector.load %arg8[%get3A_52, %get3A_53] : memref<64x128xf32, #tpu.memory_space<vmem>>, vector<64x128xf32>
    %reduce_sum3A = arith.constant dense<0.000000e+00> : vector<64xf32>
    %reduce_sum3A_55 = vector.multi_reduction <add>, %convert_element_type3A_43, %reduce_sum3A [0] : vector<1000x64xf32> to vector<64xf32>
    %broadcast_in_dim3A_56 = vector.shape_cast %reduce_sum3A_55 : vector<64xf32> to vector<64x1xf32>
    %add3A_57 = vector.broadcast %broadcast_in_dim3A_56 : vector<64x1xf32> to vector<64x128xf32>
    %add3A_58 = arith.addf %get3A_54, %add3A_57 : vector<64x128xf32>
    %swap3A_59 = arith.constant 0 : index
    %swap3A_60 = arith.constant 0 : index
    %swap3A_61 = vector.load %arg8[%swap3A_59, %swap3A_60] : memref<64x128xf32, #tpu.memory_space<vmem>>, vector<64x128xf32>
    tpu.vector_store %arg8[%swap3A_59, %swap3A_60], %add3A_58 {strides = array<i32>} : memref<64x128xf32, #tpu.memory_space<vmem>>, vector<64x128xf32>,
    %eq3A_62 = arith.constant 9 : i32
    %eq3A_63 = arith.cmpi eq, %arg0, %eq3A_62 : i32
    %convert_element_type3A_64 = arith.extui %eq3A_63 : i1 to i32
    %cond3A_65 = arith.constant 0 : i32
    %cond3A_66 = arith.cmpi ne, %convert_element_type3A_64, %cond3A_65 : i32
    scf.if %cond3A_66 {
      %get3A_67 = arith.constant 0 : index
      %get3A_68 = arith.constant 0 : index
      %get3A_69 = vector.load %arg7[%get3A_67, %get3A_68] : memref<64x128xf32, #tpu.memory_space<vmem>>, vector<64x128xf32>
      %get3A_70 = arith.constant 0 : index
      %get3A_71 = arith.constant 0 : index
      %get3A_72 = vector.load %arg8[%get3A_70, %get3A_71] : memref<64x128xf32, #tpu.memory_space<vmem>>, vector<64x128xf32>
      %max3A_73 = arith.constant 1.000000e+00 : f32
      %max3A_74 = vector.broadcast %max3A_73 : f32 to vector<64x128xf32>
      %max3A_75 = arith.maximumf %get3A_72, %max3A_74 : vector<64x128xf32>
      %div3A = arith.divf %get3A_69, %max3A_75 : vector<64x128xf32>
      %swap3A_76 = arith.constant 0 : index
      %swap3A_77 = arith.constant 0 : index
      %swap3A_78 = vector.load %arg7[%swap3A_76, %swap3A_77] : memref<64x128xf32, #tpu.memory_space<vmem>>, vector<64x128xf32>
      tpu.vector_store %arg7[%swap3A_76, %swap3A_77], %div3A {strides = array<i32>} : memref<64x128xf32, #tpu.memory_space<vmem>>, vector<64x128xf32>,
    } else {
    }
    return
  }
  func.func @transform_0(%arg0: i32) -> (i32, i32, i32) {
    %c0_i32 = arith.constant 0 : i32
    %c0_i32_0 = arith.constant 0 : i32
    %c0_i32_1 = arith.constant 0 : i32
    return %c0_i32, %arg0, %c0_i32_0 : i32, i32, i32
  }
  func.func @transform_1(%arg0: i32) -> (i32, i32) {
    %c0_i32 = arith.constant 0 : i32
    %c0_i32_0 = arith.constant 0 : i32
    %c0_i32_1 = arith.constant 0 : i32
    return %c0_i32, %c0_i32_0 : i32, i32
  }
  func.func @transform_2(%arg0: i32) -> (i32, i32) {
    %c0_i32 = arith.constant 0 : i32
    %c0_i32_0 = arith.constant 0 : i32
    %c0_i32_1 = arith.constant 0 : i32
    return %c0_i32, %c0_i32_0 : i32, i32
  }
  func.func @transform_3(%arg0: i32) -> (i32, i32) {
    %c0_i32 = arith.constant 0 : i32
    %c0_i32_0 = arith.constant 0 : i32
    %c0_i32_1 = arith.constant 0 : i32
    return %c0_i32, %c0_i32_0 : i32, i32
  }
  func.func @transform_4(%arg0: i32) -> (i32, i32) {
    %c0_i32 = arith.constant 0 : i32
    %c0_i32_0 = arith.constant 0 : i32
    %c0_i32_1 = arith.constant 0 : i32
    return %c0_i32, %c0_i32_0 : i32, i32
  }
  func.func @transform_5(%arg0: i32) -> (i32, i32, i32) {
    %c0_i32 = arith.constant 0 : i32
    %c0_i32_0 = arith.constant 0 : i32
    %c0_i32_1 = arith.constant 0 : i32
    return %arg0, %c0_i32, %c0_i32_0 : i32, i32, i32
  }
  func.func @transform_6(%arg0: i32) -> (i32, i32) {
    %c0_i32 = arith.constant 0 : i32
    %c0_i32_0 = arith.constant 0 : i32
    %c0_i32_1 = arith.constant 0 : i32
    return %c0_i32, %c0_i32_0 : i32, i32
  }
}

</mosaic_0001>

<sc_bundles>
// kernel: kernel.6.cloned.1.call-start
scs
__scs_entry_jumppad:
0x0: {  	(pc) =	sbr.rel $0x88, $3  }
0x1: {  	(tag) =	ssettag $0x0;
	lr =	simm.s32 $0x1  }
0x2: {  	[smem:$0x3F96] =	sst lr;
	_ =	strace $0xD0000000  }
0x3: {  	_ = 	snop  }
0x4: {  	_ = 	snop  }
0x5: {  	_ = 	snop  }
0x6: {  	_ = 	snop  }
0x7: {  	_ = 	snop  }
__scs_overlays_trampoline_lowered:
0x8: {  	[smem:$0x3FA5] =	sst s0  }
0x9: {  	[smem:$0x3FA6] =	sst s1  }
0xa: {  	[smem:$0x3FA7] =	sst s2  }
0xb: {  	[smem:$0x3FA8] =	sst s3  }
0xc: {  	[smem:$0x3FA9] =	sst s4  }
0xd: {  	[smem:$0x3FAA] =	sst s5  }
0xe: {  	[smem:$0x3FAB] =	sst s6  }
0xf: {  	[smem:$0x3FAC] =	sst s7  }
0x10: {  	[smem:$0x3FAD] =	sst s8  }
0x11: {  	[smem:$0x3FAE] =	sst s9;
	s0 =	simm.s32 @!p0 $0x0  }
0x12: {  	s1 =	sld [smem:$0x3F94];
	s0 =	simm.s32 @p0 $0x1  }
0x13: {  	[smem:$0x3FAF] =	sst s0;
	s0 =	simm.s32 @!p1 $0x0  }
0x14: {  	s2 =	sld [smem:$0x3F93];
	s0 =	simm.s32 @p1 $0x1  }
0x15: {  	[smem:$0x3FB0] =	sst s0;
	s0 =	simm.s32 @!p2 $0x0  }
0x16: {  	s3 =	sld [smem:$0x3FDB];
	s0 =	simm.s32 @p2 $0x1  }
0x17: {  	s4 =	simm.s32 $0x1BF5;
	[smem:$0x3FB2] =	sst s0  }
0x18: {  	s0 =	sld [smem:$0x3F95];
	_ =	swait.ge [sflag:s4], $0x0  }
0x19: {  	s7 =	sld [smem:$0x3F96]  }
0x1a: {  	s8 =	sadd.s32 $0xFFFFE003, lr  }
0x1b: {  	s9 =	sadd.s32 $0xFFFFFEF7, lr;
	s5 =	simm.s32 $0xFFFFFFFF;
	p2 =	slt.u32 s8, $0xFFFFF086  }
0x1c: {  	p1 =	slt.u32 s9, $0xF7A;
	s5 =	simm.s32 @!p2 $0x0  }
0x1d: {  	s5 =	simm.s32 @p1 $0x1;
	p0 =	seq.s32 s7, s2  }
0x1e: {  	s7 =	smul.u32 @!p0 $0xF7A, s2;
	p2 =	seq.s32 @!p0 s5, $0x0  }
0x1f: {  	s9 =	smul.u32 $0xF7A, s1;
	s8 =	simm.s32 @!p0 $0x1BF5;
	p2 =	por !p2, p0  }
0x20: {  	[sflag:s8] =	ssyncset.s32 @!p0 $0xFFFFF086;
	s6 =	sadd.s32 @!p0 s3, s7;
	s7 =	simm.s32 @!p0 $0x108  }
0x21: {  	s3 =	sadd.s32 s3, s9;
	s6 =	sadd.s32 @!p0 $0x88, s6;
	s7 =	simm.s32 @p2 $0x1082  }
0x22: {  	[simem:s7], [sflag:s8] =	dma.local @!p0 [hbm:s6], $0xF7A  }
0x23: {  	s9 =	sor.u32 $0xD0000000, s2;
	s6 =	simm.s32 $0x108;
	_ =	swait.ge @!p0 [sflag:s8], $0x0  }
0x24: {  	s3 =	sadd.s32 $0x88, s3;
	s6 =	simm.s32 @!p1 $0x1082;
	[sflag:s4] =	ssyncset.s32 $0xFFFFF086  }
0x25: {  	[simem:s6], [sflag:s4] =	dma.local [hbm:s3], $0xF7A  }
0x26: {  	[smem:$0x3F96] =	sst s1;
	(tag) =	ssettag s2;
	_ =	strace s9  }
0x27: {  	s1 =	sld [smem:$0x3FA6]  }
0x28: {  	s2 =	sld [smem:$0x3FA7]  }
0x29: {  	s4 =	sld [smem:$0x3FA9]  }
0x2a: {  	p0 =	seq.s32 s5, $0x0;
	s5 =	sld [smem:$0x3FAA]  }
0x2b: {  	s6 =	sld [smem:$0x3FAB]  }
0x2c: {  	s7 =	sld [smem:$0x3FAC]  }
0x2d: {  	s3 =	simm.s32 $0x108;
	s8 =	sld [smem:$0x3FAD]  }
0x2e: {  	s3 =	simm.s32 @!p0 $0x1082;
	s9 =	sld [smem:$0x3FAE]  }
0x2f: {  	lr =	sadd.s32 s0, s3;
	s0 =	sld [smem:$0x3FA5]  }
0x30: {  	s3 =	sld [smem:$0x3FA8]  }
0x31: {  	[smem:$0x3FB1] =	sst s10  }
0x32: {  	s10 =	sld [smem:$0x3FAF];
	_ =	sdelay $0x3  }
0x33: {  	p0 =	seq.s32 s10, $0x1;
	s10 =	sld [smem:$0x3FB1];
	_ =	sdelay $0x3  }
0x34: {  	[smem:$0x3FB1] =	sst s10  }
0x35: {  	s10 =	sld [smem:$0x3FB0];
	_ =	sdelay $0x3  }
0x36: {  	p1 =	seq.s32 s10, $0x1;
	s10 =	sld [smem:$0x3FB1];
	_ =	sdelay $0x3  }
0x37: {  	[smem:$0x3FB1] =	sst s10  }
0x38: {  	s10 =	sld [smem:$0x3FB2]  }
0x39: {  	_ = 	snop;
	(pc) =	sbr.ind lr, $3  }
0x3a: {  	_ = 	snop  }
0x3b: {  	_ = 	snop  }
0x3c: {  	p2 =	seq.s32 s10, $0x1;
	s10 =	sld [smem:$0x3FB1]  }
0x3d: {  	_ =	shalt  }
0x3e: {  	_ =	shalt  }
0x3f: {  	_ =	shalt  }
0x40: {  	_ =	shalt  }
0x41: {  	_ =	shalt  }
0x42: {  	_ =	shalt  }
0x43: {  	_ =	shalt  }
0x44: {  	_ =	shalt  }
0x45: {  	_ =	shalt  }
0x46: {  	_ =	shalt  }
0x47: {  	_ =	shalt  }
0x48: {  	_ =	shalt  }
0x49: {  	_ =	shalt  }
0x4a: {  	_ =	shalt  }
0x4b: {  	_ =	shalt  }
0x4c: {  	_ =	shalt  }
0x4d: {  	_ =	shalt  }
0x4e: {  	_ =	shalt  }
0x4f: {  	_ =	shalt  }
0x50: {  	_ =	shalt  }
0x51: {  	_ =	shalt  }
0x52: {  	_ =	shalt  }
0x53: {  	_ =	shalt  }
0x54: {  	_ =	shalt  }
0x55: {  	_ =	shalt  }
0x56: {  	_ =	shalt  }
0x57: {  	_ =	shalt  }
0x58: {  	_ =	shalt  }
0x59: {  	_ =	shalt  }
0x5a: {  	_ =	shalt  }
0x5b: {  	_ =	shalt  }
0x5c: {  	_ =	shalt  }
0x5d: {  	_ =	shalt  }
0x5e: {  	_ =	shalt  }
0x5f: {  	_ =	shalt  }
0x60: {  	_ =	shalt  }
0x61: {  	_ =	shalt  }
0x62: {  	_ =	shalt  }
0x63: {  	_ =	shalt  }
0x64: {  	_ =	shalt  }
0x65: {  	_ =	shalt  }
0x66: {  	_ =	shalt  }
0x67: {  	_ =	shalt  }
0x68: {  	_ =	shalt  }
0x69: {  	_ =	shalt  }
0x6a: {  	_ =	shalt  }
0x6b: {  	_ =	shalt  }
0x6c: {  	_ =	shalt  }
0x6d: {  	_ =	shalt  }
0x6e: {  	_ =	shalt  }
0x6f: {  	_ =	shalt  }
0x70: {  	_ =	shalt  }
0x71: {  	_ =	shalt  }
0x72: {  	_ =	shalt  }
0x73: {  	_ =	shalt  }
0x74: {  	_ =	shalt  }
0x75: {  	_ =	shalt  }
0x76: {  	_ =	shalt  }
0x77: {  	_ =	shalt  }
0x78: {  	_ =	shalt  }
0x79: {  	_ =	shalt  }
0x7a: {  	_ =	shalt  }
0x7b: {  	_ =	shalt  }
0x7c: {  	_ =	shalt  }
0x7d: {  	_ =	shalt  }
0x7e: {  	_ =	shalt  }
0x7f: {  	_ =	shalt  }
0x80: {  	_ =	shalt  }
0x81: {  	_ =	shalt  }
0x82: {  	_ =	shalt  }
0x83: {  	_ =	shalt  }
0x84: {  	_ =	shalt  }
0x85: {  	_ =	shalt  }
0x86: {  	_ =	shalt  }
0x87: {  	_ =	shalt  }
.Lfunc_end0:
.L_simem_size_0:
called_computation_lowered:
.L_overlay_start_0:
0x88: {  	s2 =	sld [smem:$0x3FD9]  }
0x89: {  	s3 =	sld [smem:$0x3FFE];
	_ =	sdelay $0x1  }
0x8a: {  	s1 =	srdreg.scid  }
0x8b: {  	s0 =	sand.u32 $0x1, s1  }
0x8c: {  	s17 =	sshll.u32 s0, $0xA;
	s2 =	sadd.s32 s3, s2  }
0x8d: {  	s2 =	sadd.s32 s2, s17  }
0x8e: {  	[smem:$0x3FBD] =	sst s2  }
0x8f: {  	_ = 	snop  }
0x90: {  	s2 =	sld [smem:$0x3FC9];
	(tm) =	ssettm $0x1  }
0x91: {  	s18 =	sld [smem:$0x3FFB];
	_ =	sdelay $0x3  }
0x92: {  	_ =	strace s18  }
0x93: {  	s3 =	sld [smem:$0x3FFC];
	_ =	sdelay $0x3  }
0x94: {  	_ =	strace s3  }
0x95: {  	s3 =	sld [smem:$0x3FFD];
	_ =	sdelay $0x3  }
0x96: {  	_ =	strace s3  }
0x97: {  	_ =	strace $0x8FFFFFFF  }
0x98: {  	s19 =	sld [smem:$0x3FDB];
	_ =	sdelay $0x1  }
0x99: {  	s4 =	simm.s32 $_scs_section_size  }
0x9a: {  	s5 =	simm.s32 $_size__tile_overlayer_lowered;
	s6 =	simm.s32 $_tile_overlayer_lowered  }
0x9b: {  	s22 =	simm.s32 $0x1BFF;
	s21 =	sshll.u32 s6, $0x1;
	s3 =	sadd.s32 s4, s19  }
0x9c: {  	s7 =	simm.s32 $0x0;
	s20 =	sshll.u32 s5, $0x1;
	s5 =	sadd.s32 s21, s3  }
0x9d: {  	[timem:s7], [sflag:s22] =	dma.local [hbm:s5], s20  }
0x9e: {  	_ =	swait.ge [sflag:s22], s20  }
0x9f: {  	s4 =	ssub.s32 $0x0, s20;
	[sflag:s22] =	ssyncset.done $0x0  }
0xa0: {  	[sflag:s22] =	ssyncadd.s32 s4;
	_ =	sdelay $0x1  }
0xa1: {  	s23 =	simm.s32 $0x1B8B  }
0xa2: {  	_ =	swait.ge [sflag:s23], $0x1  }
0xa3: {  	[sflag:s23] =	ssyncset.done $0x0  }
0xa4: {  	s25 =	simm.s32 $0x1B8E;
	s24 =	sld [smem:$0x3FFE];
	[sflag:s23] =	ssyncadd.s32 $0xFFFFFFFF  }
0xa5: {  	s26 =	simm.s32 $execute0_lowered;
	[smem:$0x3FD2] =	sst s25  }
0xa6: {  	s5 =	sshll.u32 s26, $0x1;
	_ =	strace $0x80000046;
	[dreg:$0x1] =	wrdreg $0xFFFFFFFF  }
0xa7: {  	s28 =	simm.s32 $_size_execute0_lowered;
	s3 =	sadd.s32 s3, s5;
	[dreg:$0x0] =	wrdreg $0x0  }
0xa8: {  	s5 =	sshll.u32 s28, $0x1;
	[dreg:$0x2] =	wrdreg s3  }
0xa9: {  	[dreg:$0x3] =	wrdreg s5  }
0xaa: {  	[dreg:$0x4] =	wrdreg $0xC0  }
0xab: {  	_ =	task [dreg:s7], $0x5FFFF  }
0xac: {  	[dreg:$0x1] =	wrdreg $0xFFFFFFFF  }
0xad: {  	[dreg:$0x0] =	wrdreg $0x60  }
0xae: {  	[dreg:$0x2] =	wrdreg s2  }
0xaf: {  	[dreg:$0x3] =	wrdreg s24  }
0xb0: {  	[dreg:$0x4] =	wrdreg $0x41000  }
0xb1: {  	[dreg:$0x5] =	wrdreg $0x9  }
0xb2: {  	_ =	task.clear_ibuf [dreg:s7], $0x6FFFF;
	_ =	strace $0x90000046  }
0xb3: {  	s29 =	simm.s32 $0x9;
	_ =	strace $0x80000048  }
0xb4: {  	_ =	swait.ge [sflag:s29], $0x1  }
0xb5: {  	[sflag:s29] =	ssyncadd.s32 $0xFFFFFFFF  }
0xb6: {  	_ =	strace $0x90000048  }
0xb7: {  	_ =	sfence  }
0xb8: {  	s30 =	sld [smem:$0x0];
	_ =	sdelay $0x2  }
0xb9: {  	s31 =	sshll.u32 s1, $0xD;
	s1 =	sshrl.u32 s1, $0x2  }
0xba: {  	s3 =	sand.u32 $0x4000, s31;
	s1 =	sadd.s32 s1, s30  }
0xbb: {  	s0 =	sor.u32 s3, s0;
	s1 =	sshll.u32 s1, $0x11  }
0xbc: {  	s0 =	sor.u32 s1, s0  }
0xbd: {  	s0 =	sadd.s32 $0x8F2B, s0  }
0xbe: {  	[sflag:s0] =	ssyncadd.remote.s32 $0x1  }
0xbf: {  	_ =	sfence.sel $0xFFFF  }
0xc0: {  	[dreg:$0x0] =	wrdreg $0xFFFFFFFF;
	(pc) =	sbr.abs _section_cstart, $3  }
0xc1: {  	[dreg:$0x1] =	wrdreg $0xFFFFFFFF  }
0xc2: {  	_ =	task.clear_ibuf [dreg:s7], $0x2FFFF;
	_ =	strace $0x9FFFFFFF  }
0xc3: {  	(tm) =	ssettm $0x7FFFFFFF  }
tec
execute0_lowered:
.L_overlay_start_1:
0x0: {  	(tag) =	ssettag $0x1  }
0x1: {  	s1 =	rddreg [dreg:$0x0]  }
0x2: {  	s6 =	rddreg [dreg:$0x1]  }
0x3: {  	s3 =	rddreg [dreg:$0x2]  }
0x4: {  	s0 =	rddreg [dreg:$0x3];
	s4 =	simm.s32 $0x0;
	s2 =	stileid.u32  }
0x5: {  	s5 =	srdreg.scid;
	s21 =	simm.s32 $0x2;
	s22 =	simm.s32 $0x80  }
0x6: {  	s23 =	simm.s32 $0x100;
	s24 =	simm.s32 $0x1;
	s7 =	smul.u32 $0x9E0, s2  }
0x7: {  	[smem:$0x7FF] =	sst s4;
	s10 =	sand.u32 $0x1, s5;
	s29 =	smul.u32 $0x4F000, s2  }
0x8: {  	s5 =	sadd.s32 $0x15400, s6;
	s11 =	sadd.s32 $0x17C00, s6;
	s9 =	smul.u32 $0x2780, s2  }
0x9: {  	p2 =	sne.s32 s2, $0xF;
	p0 =	seq.s32 s2, $0xF;
	s15 =	smul.u32 $0x13C00, s2  }
0xa: {  	s25 =	simm.s32 $0x0;
	s18 =	sadd.s32 $0x138800, s3;
	_ =	strace $0x80000047  }
0xb: {  	s8 =	ssub.s32 $0x2, s10;
	p1 =	seq.s32 s10, $0x0;
	s14 =	smul.u32 $0x138800, s10  }
0xc: {  	s16 =	smul.u32 $0x4F0, s10;
	s13 =	sadd.s32 s7, s6;
	s28 =	sshrl.u32 s8, $0x1  }
0xd: {  	p2 =	por !p1, !p2;
	p3 =	por !p1, !p0;
	s30 =	sshrl.u32 s29, $0x2  }
0xe: {  	s6 =	sadd.s32 $0x128400, s3;
	s9 =	sadd.s32 s1, s9;
	s12 =	ssub.s32 s8, s28  }
0xf: {  	p1 =	por !p2, !p2;
	p3 =	por !p3, !p3;
	s7 =	sadd.s32 s30, s3  }
0x10: {  	s8 =	sadd.s32 $0x25080, s1;
	s15 =	sadd.s32 s15, s14;
	s14 =	sshrl.u32 s14, $0x3  }
0x11: {  	s31 =	sadd.s32 s16, s13;
	p2 =	por p3, p1;
	s15 =	sshrl.u32 s15, $0x3  }
0x12: {  	s14 =	sadd.s32 s11, s14;
	s12 =	smax.u32 s12, $0x1;
	s13 =	sadd.s32 $0xB600, s31  }
0x13: {  	s19 =	sshll.u32 @p1 s2, $0x6;
	s20 =	sshrl.u32 @p1 s7, $0x3;
	p2 =	seq.s32 @!p2 s10, $0x0  }
0x14: {  	s10 =	sadd.s32 s11, s15;
	s11 =	sadd.s32 $0x25080, s14;
	p2 =	por @!p1 p2, p3  }
0x15: {  	s14 =	sadd.s32 $0x1800, s31;
	p3 =	por !p3, p1;
	p2 =	por p2, p1  }
0x16: {  	s19 =	sor.u32 @p1 $0x1C02, s19;
	s17 =	sshrl.u32 @!p3 s6, $0x3;
	s15 =	sshll.u32 @!p2 s2, $0x6  }
0x17: {  	s18 =	sshrl.u32 @!p3 s18, $0x3;
	s16 =	sshrl.u32 @!p2 s7, $0x3;
	s15 =	sor.u32 @!p2 $0x1C02, s15  }
.LBB2_1:
0x18: {  	[spmem:s16], [sflag:s15] =	dma.local @!p2 [hbm:s5], $0x2780  }
0x19: {  	s26 =	simm.s32 @!p2 $0x2  }
0x1a: {  	_ =	swait.ge @!p2 [sflag:s26], $0x2780  }
0x1b: {  	[sflag:s26] =	ssyncset.done @!p2 $0x0  }
0x1c: {  	s28 =	simm.s32 @!p3 $0x2;
	[sflag:s26] =	ssyncadd.s32 @!p2 $0xFFFFD880;
	s26 =	simm.s32 @!p3 $0x1FC2  }
0x1d: {  	[spmem:s17], [sflag:s26] =	dma.local @!p3 [hbm:s8], $0x2080  }
0x1e: {  	_ =	swait.ge @!p3 [sflag:s28], $0x2080  }
0x1f: {  	[sflag:s28] =	ssyncset.done @!p3 $0x0  }
0x20: {  	[sflag:s28] =	ssyncadd.s32 @!p3 $0xFFFFDF80  }
0x21: {  	[spmem:s18], [sflag:s26] =	dma.local @!p3 [hbm:s5], $0x700  }
0x22: {  	_ =	swait.ge @!p3 [sflag:s28], $0x700  }
0x23: {  	[sflag:s28] =	ssyncset.done @!p3 $0x0  }
0x24: {  	s26 =	simm.s32 @p1 $0x2;
	[sflag:s28] =	ssyncadd.s32 @!p3 $0xFFFFF900  }
0x25: {  	[spmem:s20], [sflag:s19] =	dma.local @p1 [hbm:s9], $0x2780  }
0x26: {  	_ =	swait.ge @p1 [sflag:s26], $0x2780  }
0x27: {  	[sflag:s26] =	ssyncset.done @p1 $0x0  }
0x28: {  	[sflag:s26] =	ssyncadd.s32 @p1 $0xFFFFD880  }
0x29: {  	s30 =	sadd.s32 $0x0, s14;
	[bflag:$0x0] =	sbarrier.arrive $0xFFFF  }
0x2a: {  	[tilespmem:s4], [sflag:$0x2] =	stream.linear.gather [hbm4b:s30+s4], $0x80, $0x38;
	[tilespmem:$0x17D00] =	vst v63  }
0x2b: {  	_ =	swait.ge [sflag:s21], $0x80  }
0x2c: {  	[sflag:s21] =	ssyncset.done $0x0  }
0x2d: {  	s31 =	sadd.s32 $0x0, s13;
	[sflag:s21] =	ssyncadd.s32 $0xFFFFFF80  }
0x2e: {  	[tilespmem:s22], [sflag:$0x2] =	stream.linear.gather [hbm4b:s31+s4], $0x80, $0x38;
	[tilespmem:$0x17D00] =	vst v63  }
0x2f: {  	_ =	swait.ge [sflag:s21], $0x80  }
0x30: {  	[sflag:s21] =	ssyncset.done $0x0  }
0x31: {  	[sflag:s21] =	ssyncadd.s32 $0xFFFFFF80  }
0x32: {  	[tilespmem:s23], [sflag:$0x1] =	stream.indirect.gather [hbm4b:s1+s22], $0x80, s4, s22, $0xb8;
	[tilespmem:$0x17D00] =	vst v63  }
0x33: {  	_ =	swait.ge [sflag:s24], $0x4000  }
0x34: {  	p4 =	por @!p3 $0x1, $0x1;
	p5 =	por p0, p0;
	[sflag:s24] =	ssyncset.done $0x0  }
0x35: {  	p5 =	por @!p3 p4, p4;
	p4 =	por @p1 $0x0, $0x0;
	[sflag:s24] =	ssyncadd.s32 $0xFFFFC000  }
0x36: {  	[spmem:s3] =	stream.indirect.scatter.add.f32 [tilespmem:s23], [sflag:$0x2], $0x80, s22, s22, $0xb8;
	[tilespmem:$0x17D00] =	vst v63  }
0x37: {  	p4 =	por @!p1 p5, p5;
	_ =	swait.ge [sflag:s21], $0x4000  }
0x38: {  	s28 =	simm.s32 $0x20;
	s26 =	simm.s32 $0x10;
	[sflag:s21] =	ssyncset.done $0x0  }
.LBB2_2:
0x39: {  	s29 =	sadd.s32 s26, s14  }
0x3a: {  	[sflag:s21] =	ssyncadd.s32 $0xFFFFC000;
	s30 =	smov.u32 s28;
	s31 =	sadd.s32 $0x10, s28  }
0x3b: {  	[tilespmem:s4], [sflag:$0x2] =	stream.linear.gather [hbm4b:s29+s4], $0x80, $0x38;
	[tilespmem:$0x17D00] =	vst v63  }
0x3c: {  	p5 =	sne.s32 s28, $0x4E0;
	_ =	swait.ge [sflag:s21], $0x80  }
0x3d: {  	[sflag:s21] =	ssyncset.done $0x0  }
0x3e: {  	s28 =	sadd.s32 s26, s13;
	s26 =	smov.u32 s30;
	[sflag:s21] =	ssyncadd.s32 $0xFFFFFF80  }
0x3f: {  	[tilespmem:s22], [sflag:$0x2] =	stream.linear.gather [hbm4b:s28+s4], $0x80, $0x38;
	[tilespmem:$0x17D00] =	vst v63  }
0x40: {  	_ =	swait.ge [sflag:s21], $0x80  }
0x41: {  	[sflag:s21] =	ssyncset.done $0x0  }
0x42: {  	[sflag:s21] =	ssyncadd.s32 $0xFFFFFF80  }
0x43: {  	[tilespmem:s23], [sflag:$0x1] =	stream.indirect.gather [hbm4b:s1+s22], $0x80, s4, s22, $0xb8;
	[tilespmem:$0x17D00] =	vst v63  }
0x44: {  	_ =	swait.ge [sflag:s24], $0x4000  }
.Ltmp0:
0x45: {  	[sflag:s24] =	ssyncset.done $0x0;
	(pc) =	sbr.rel @p5 .LBB2_2-.Ltmp0, $4  }
0x46: {  	[sflag:s24] =	ssyncadd.s32 $0xFFFFC000  }
0x47: {  	[spmem:s3] =	stream.indirect.scatter.add.f32 [tilespmem:s23], [sflag:$0x2], $0x80, s22, s22, $0xb8;
	[tilespmem:$0x17D00] =	vst v63  }
0x48: {  	_ =	swait.ge [sflag:s21], $0x4000  }
0x49: {  	s28 =	smov.u32 s31;
	[sflag:s21] =	ssyncset.done $0x0  }
0x4a: {  	s28 =	sadd.s32 s26, s14;
	[sflag:s21] =	ssyncadd.s32 $0xFFFFC000  }
0x4b: {  	[tilespmem:s4], [sflag:$0x2] =	stream.linear.gather [hbm4b:s28+s4], $0x80, $0x38;
	[tilespmem:$0x17D00] =	vst v63  }
0x4c: {  	_ =	swait.ge [sflag:s21], $0x80  }
0x4d: {  	[sflag:s21] =	ssyncset.done $0x0  }
0x4e: {  	s31 =	sadd.s32 s26, s13;
	[sflag:s21] =	ssyncadd.s32 $0xFFFFFF80  }
0x4f: {  	[tilespmem:s22], [sflag:$0x2] =	stream.linear.gather [hbm4b:s31+s4], $0x80, $0x38;
	[tilespmem:$0x17D00] =	vst v63  }
0x50: {  	_ =	swait.ge [sflag:s21], $0x80  }
0x51: {  	[sflag:s21] =	ssyncset.done $0x0  }
0x52: {  	[sflag:s21] =	ssyncadd.s32 $0xFFFFFF80  }
0x53: {  	[tilespmem:s23], [sflag:$0x1] =	stream.indirect.gather [hbm4b:s1+s22], $0x80, s4, s22, $0xb8;
	[tilespmem:$0x17D00] =	vst v63  }
0x54: {  	_ =	swait.ge [sflag:s24], $0x4000  }
0x55: {  	[sflag:s24] =	ssyncset.done $0x0  }
0x56: {  	[sflag:s24] =	ssyncadd.s32 $0xFFFFC000  }
0x57: {  	[spmem:s3] =	stream.indirect.scatter.add.f32 [tilespmem:s23], [sflag:$0x2], $0x80, s22, s22, $0xb8;
	[tilespmem:$0x17D00] =	vst v63  }
0x58: {  	_ =	swait.ge [sflag:s21], $0x4000  }
0x59: {  	[sflag:s21] =	ssyncset.done $0x0  }
0x5a: {  	s26 =	sshll.u32 @!p0 s2, $0x6;
	[sflag:s21] =	ssyncadd.s32 $0xFFFFC000  }
0x5b: {  	s26 =	sor.u32 @!p0 $0x1C02, s26;
	s28 =	sshrl.u32 @!p0 s7, $0x3;
	[bflag:$0x0] =	sbarrier.arrive $0xFFFF  }
0x5c: {  	[hbm:s10], [sflag:s26] =	dma.local @!p0 [spmem:s28], $0x2780  }
0x5d: {  	s26 =	simm.s32 @!p0 $0x2  }
0x5e: {  	s25 =	sadd.s32 $0x1, s25;
	_ =	swait.ge @!p0 [sflag:s26], $0x2780  }
0x5f: {  	p5 =	sne.s32 s25, s12;
	s28 =	sshll.u32 @p4 s2, $0x6;
	[sflag:s26] =	ssyncset.done @!p0 $0x0  }
0x60: {  	[sflag:s26] =	ssyncadd.s32 @!p0 $0xFFFFD880;
	s26 =	sor.u32 @p4 $0x1C02, s28;
	s28 =	sshrl.u32 @p4 s6, $0x3  }
0x61: {  	[hbm:s11], [sflag:s26] =	dma.local @p4 [spmem:s28], $0x2080  }
.Ltmp1:
0x62: {  	_ = 	snop;
	(pc) =	sbr.rel @p5 .LBB2_1-.Ltmp1, $4  }
0x63: {  	s26 =	simm.s32 @p4 $0x2  }
0x64: {  	_ =	swait.ge @p4 [sflag:s26], $0x2080  }
0x65: {  	[sflag:s26] =	ssyncset.done @p4 $0x0  }
0x66: {  	[sflag:s26] =	ssyncadd.s32 @p4 $0xFFFFDF80  }
0x67: {  	_ =	sfence.sel $0x180000  }
0x68: {  	[bflag:$0x0] =	sbarrier.arrive $0xFFFF  }
0x69: {  	p0 =	sne.s32 s2, $0x0;
	_ =	strace $0x90000047  }
0x6a: {  	s0 =	sadd.s32 @!p0 $0x100000, s0;
	[bflag:$0x2] =	sbarrier.arrive $0xFFFF  }
0x6b: {  	[sflag:s0] =	ssyncadd.tile.s32 @!p0 $0x1;
	_ =	shalt  }
.Lfunc_end2:
_tile_overlayer_lowered:
.L_overlay_start_2:
0x6c: {  	(tag) =	ssettag $0x2  }
0x6d: {  	s0 =	rddreg [dreg:$0x0];
	s2 =	stileid.u32  }
0x6e: {  	s1 =	rddreg [dreg:$0x1];
	p0 =	sne.s32 s2, $0x0  }
0x6f: {  	s3 =	rddreg [dreg:$0x2];
	[bflag:$0x3] =	sbarrier.arrive $0xFFFF;
	s2 =	simm.s32 @!p0 $0x1C02  }
0x70: {  	[timem:s3], [sflag:s2] =	dma.local @!p0 [hbm:s0], s1  }
0x71: {  	s0 =	simm.s32 @!p0 $0x2  }
0x72: {  	_ =	swait.ge @!p0 [sflag:s0], s1  }
0x73: {  	s1 =	ssub.s32 @!p0 $0x0, s1;
	[sflag:s0] =	ssyncset.done @!p0 $0x0  }
0x74: {  	[sflag:s0] =	ssyncadd.s32 @!p0 s1  }
0x75: {  	[bflag:$0x3] =	sbarrier.arrive $0xFFFF  }
0x76: {  	_ =	shalt  }

// kernel: kernel.9.cloned.1.call-start
scs
__scs_entry_jumppad:
0x0: {  	(pc) =	sbr.rel $0x88, $3  }
0x1: {  	(tag) =	ssettag $0x0;
	lr =	simm.s32 $0x1  }
0x2: {  	[smem:$0x3F96] =	sst lr;
	_ =	strace $0xD0000000  }
0x3: {  	_ = 	snop  }
0x4: {  	_ = 	snop  }
0x5: {  	_ = 	snop  }
0x6: {  	_ = 	snop  }
0x7: {  	_ = 	snop  }
__scs_overlays_trampoline_lowered:
0x8: {  	[smem:$0x3FA5] =	sst s0  }
0x9: {  	[smem:$0x3FA6] =	sst s1  }
0xa: {  	[smem:$0x3FA7] =	sst s2  }
0xb: {  	[smem:$0x3FA8] =	sst s3  }
0xc: {  	[smem:$0x3FA9] =	sst s4  }
0xd: {  	[smem:$0x3FAA] =	sst s5  }
0xe: {  	[smem:$0x3FAB] =	sst s6  }
0xf: {  	[smem:$0x3FAC] =	sst s7  }
0x10: {  	[smem:$0x3FAD] =	sst s8  }
0x11: {  	[smem:$0x3FAE] =	sst s9;
	s0 =	simm.s32 @!p0 $0x0  }
0x12: {  	s1 =	sld [smem:$0x3F94];
	s0 =	simm.s32 @p0 $0x1  }
0x13: {  	[smem:$0x3FAF] =	sst s0;
	s0 =	simm.s32 @!p1 $0x0  }
0x14: {  	s2 =	sld [smem:$0x3F93];
	s0 =	simm.s32 @p1 $0x1  }
0x15: {  	[smem:$0x3FB0] =	sst s0;
	s0 =	simm.s32 @!p2 $0x0  }
0x16: {  	s3 =	sld [smem:$0x3FDB];
	s0 =	simm.s32 @p2 $0x1  }
0x17: {  	s4 =	simm.s32 $0x1BF5;
	[smem:$0x3FB2] =	sst s0  }
0x18: {  	s0 =	sld [smem:$0x3F95];
	_ =	swait.ge [sflag:s4], $0x0  }
0x19: {  	s7 =	sld [smem:$0x3F96]  }
0x1a: {  	s8 =	sadd.s32 $0xFFFFE003, lr  }
0x1b: {  	s9 =	sadd.s32 $0xFFFFFEF7, lr;
	s5 =	simm.s32 $0xFFFFFFFF;
	p2 =	slt.u32 s8, $0xFFFFF086  }
0x1c: {  	p1 =	slt.u32 s9, $0xF7A;
	s5 =	simm.s32 @!p2 $0x0  }
0x1d: {  	s5 =	simm.s32 @p1 $0x1;
	p0 =	seq.s32 s7, s2  }
0x1e: {  	s7 =	smul.u32 @!p0 $0xF7A, s2;
	p2 =	seq.s32 @!p0 s5, $0x0  }
0x1f: {  	s9 =	smul.u32 $0xF7A, s1;
	s8 =	simm.s32 @!p0 $0x1BF5;
	p2 =	por !p2, p0  }
0x20: {  	[sflag:s8] =	ssyncset.s32 @!p0 $0xFFFFF086;
	s6 =	sadd.s32 @!p0 s3, s7;
	s7 =	simm.s32 @!p0 $0x108  }
0x21: {  	s3 =	sadd.s32 s3, s9;
	s6 =	sadd.s32 @!p0 $0x88, s6;
	s7 =	simm.s32 @p2 $0x1082  }
0x22: {  	[simem:s7], [sflag:s8] =	dma.local @!p0 [hbm:s6], $0xF7A  }
0x23: {  	s9 =	sor.u32 $0xD0000000, s2;
	s6 =	simm.s32 $0x108;
	_ =	swait.ge @!p0 [sflag:s8], $0x0  }
0x24: {  	s3 =	sadd.s32 $0x88, s3;
	s6 =	simm.s32 @!p1 $0x1082;
	[sflag:s4] =	ssyncset.s32 $0xFFFFF086  }
0x25: {  	[simem:s6], [sflag:s4] =	dma.local [hbm:s3], $0xF7A  }
0x26: {  	[smem:$0x3F96] =	sst s1;
	(tag) =	ssettag s2;
	_ =	strace s9  }
0x27: {  	s1 =	sld [smem:$0x3FA6]  }
0x28: {  	s2 =	sld [smem:$0x3FA7]  }
0x29: {  	s4 =	sld [smem:$0x3FA9]  }
0x2a: {  	p0 =	seq.s32 s5, $0x0;
	s5 =	sld [smem:$0x3FAA]  }
0x2b: {  	s6 =	sld [smem:$0x3FAB]  }
0x2c: {  	s7 =	sld [smem:$0x3FAC]  }
0x2d: {  	s3 =	simm.s32 $0x108;
	s8 =	sld [smem:$0x3FAD]  }
0x2e: {  	s3 =	simm.s32 @!p0 $0x1082;
	s9 =	sld [smem:$0x3FAE]  }
0x2f: {  	lr =	sadd.s32 s0, s3;
	s0 =	sld [smem:$0x3FA5]  }
0x30: {  	s3 =	sld [smem:$0x3FA8]  }
0x31: {  	[smem:$0x3FB1] =	sst s10  }
0x32: {  	s10 =	sld [smem:$0x3FAF];
	_ =	sdelay $0x3  }
0x33: {  	p0 =	seq.s32 s10, $0x1;
	s10 =	sld [smem:$0x3FB1];
	_ =	sdelay $0x3  }
0x34: {  	[smem:$0x3FB1] =	sst s10  }
0x35: {  	s10 =	sld [smem:$0x3FB0];
	_ =	sdelay $0x3  }
0x36: {  	p1 =	seq.s32 s10, $0x1;
	s10 =	sld [smem:$0x3FB1];
	_ =	sdelay $0x3  }
0x37: {  	[smem:$0x3FB1] =	sst s10  }
0x38: {  	s10 =	sld [smem:$0x3FB2]  }
0x39: {  	_ = 	snop;
	(pc) =	sbr.ind lr, $3  }
0x3a: {  	_ = 	snop  }
0x3b: {  	_ = 	snop  }
0x3c: {  	p2 =	seq.s32 s10, $0x1;
	s10 =	sld [smem:$0x3FB1]  }
0x3d: {  	_ =	shalt  }
0x3e: {  	_ =	shalt  }
0x3f: {  	_ =	shalt  }
0x40: {  	_ =	shalt  }
0x41: {  	_ =	shalt  }
0x42: {  	_ =	shalt  }
0x43: {  	_ =	shalt  }
0x44: {  	_ =	shalt  }
0x45: {  	_ =	shalt  }
0x46: {  	_ =	shalt  }
0x47: {  	_ =	shalt  }
0x48: {  	_ =	shalt  }
0x49: {  	_ =	shalt  }
0x4a: {  	_ =	shalt  }
0x4b: {  	_ =	shalt  }
0x4c: {  	_ =	shalt  }
0x4d: {  	_ =	shalt  }
0x4e: {  	_ =	shalt  }
0x4f: {  	_ =	shalt  }
0x50: {  	_ =	shalt  }
0x51: {  	_ =	shalt  }
0x52: {  	_ =	shalt  }
0x53: {  	_ =	shalt  }
0x54: {  	_ =	shalt  }
0x55: {  	_ =	shalt  }
0x56: {  	_ =	shalt  }
0x57: {  	_ =	shalt  }
0x58: {  	_ =	shalt  }
0x59: {  	_ =	shalt  }
0x5a: {  	_ =	shalt  }
0x5b: {  	_ =	shalt  }
0x5c: {  	_ =	shalt  }
0x5d: {  	_ =	shalt  }
0x5e: {  	_ =	shalt  }
0x5f: {  	_ =	shalt  }
0x60: {  	_ =	shalt  }
0x61: {  	_ =	shalt  }
0x62: {  	_ =	shalt  }
0x63: {  	_ =	shalt  }
0x64: {  	_ =	shalt  }
0x65: {  	_ =	shalt  }
0x66: {  	_ =	shalt  }
0x67: {  	_ =	shalt  }
0x68: {  	_ =	shalt  }
0x69: {  	_ =	shalt  }
0x6a: {  	_ =	shalt  }
0x6b: {  	_ =	shalt  }
0x6c: {  	_ =	shalt  }
0x6d: {  	_ =	shalt  }
0x6e: {  	_ =	shalt  }
0x6f: {  	_ =	shalt  }
0x70: {  	_ =	shalt  }
0x71: {  	_ =	shalt  }
0x72: {  	_ =	shalt  }
0x73: {  	_ =	shalt  }
0x74: {  	_ =	shalt  }
0x75: {  	_ =	shalt  }
0x76: {  	_ =	shalt  }
0x77: {  	_ =	shalt  }
0x78: {  	_ =	shalt  }
0x79: {  	_ =	shalt  }
0x7a: {  	_ =	shalt  }
0x7b: {  	_ =	shalt  }
0x7c: {  	_ =	shalt  }
0x7d: {  	_ =	shalt  }
0x7e: {  	_ =	shalt  }
0x7f: {  	_ =	shalt  }
0x80: {  	_ =	shalt  }
0x81: {  	_ =	shalt  }
0x82: {  	_ =	shalt  }
0x83: {  	_ =	shalt  }
0x84: {  	_ =	shalt  }
0x85: {  	_ =	shalt  }
0x86: {  	_ =	shalt  }
0x87: {  	_ =	shalt  }
.Lfunc_end0:
.L_simem_size_0:
called_computation.1_lowered:
.L_overlay_start_0:
0x88: {  	s2 =	sld [smem:$0x3FD9]  }
0x89: {  	s3 =	sld [smem:$0x3FFE];
	_ =	sdelay $0x1  }
0x8a: {  	s1 =	srdreg.scid  }
0x8b: {  	s0 =	sand.u32 $0x1, s1  }
0x8c: {  	s16 =	sshll.u32 s0, $0xA;
	s2 =	sadd.s32 s3, s2  }
0x8d: {  	s2 =	sadd.s32 s2, s16  }
0x8e: {  	[smem:$0x3FBD] =	sst s2  }
0x8f: {  	_ = 	snop  }
0x90: {  	(tm) =	ssettm $0x1  }
0x91: {  	s17 =	sld [smem:$0x3FFB];
	_ =	sdelay $0x3  }
0x92: {  	_ =	strace s17  }
0x93: {  	s2 =	sld [smem:$0x3FFC];
	_ =	sdelay $0x3  }
0x94: {  	_ =	strace s2  }
0x95: {  	s2 =	sld [smem:$0x3FFD];
	_ =	sdelay $0x3  }
0x96: {  	_ =	strace s2  }
0x97: {  	_ =	strace $0x8FFFFFFF  }
0x98: {  	s18 =	sld [smem:$0x3FDB];
	_ =	sdelay $0x1  }
0x99: {  	s19 =	simm.s32 $_scs_section_size  }
0x9a: {  	s4 =	simm.s32 $_size__tile_overlayer_lowered;
	s5 =	simm.s32 $_tile_overlayer_lowered  }
0x9b: {  	s22 =	simm.s32 $0x1BFF;
	s21 =	sshll.u32 s5, $0x1;
	s2 =	sadd.s32 s19, s18  }
0x9c: {  	s6 =	simm.s32 $0x0;
	s20 =	sshll.u32 s4, $0x1;
	s4 =	sadd.s32 s21, s2  }
0x9d: {  	[timem:s6], [sflag:s22] =	dma.local [hbm:s4], s20  }
0x9e: {  	_ =	swait.ge [sflag:s22], s20  }
0x9f: {  	s3 =	ssub.s32 $0x0, s20;
	[sflag:s22] =	ssyncset.done $0x0  }
0xa0: {  	[sflag:s22] =	ssyncadd.s32 s3;
	_ =	sdelay $0x1  }
0xa1: {  	s23 =	simm.s32 $0x1B8B  }
0xa2: {  	_ =	swait.ge [sflag:s23], $0x1  }
0xa3: {  	[sflag:s23] =	ssyncset.done $0x0  }
0xa4: {  	s25 =	simm.s32 $0x1B8E;
	s24 =	sld [smem:$0x3FFE];
	[sflag:s23] =	ssyncadd.s32 $0xFFFFFFFF  }
0xa5: {  	s26 =	simm.s32 $execute0_lowered;
	[smem:$0x3FD2] =	sst s25  }
0xa6: {  	s4 =	sshll.u32 s26, $0x1;
	_ =	strace $0x80000049;
	[dreg:$0x1] =	wrdreg $0xFFFFFFFF  }
0xa7: {  	s28 =	simm.s32 $_size_execute0_lowered;
	s2 =	sadd.s32 s2, s4;
	[dreg:$0x0] =	wrdreg $0x0  }
0xa8: {  	s4 =	sshll.u32 s28, $0x1;
	[dreg:$0x2] =	wrdreg s2  }
0xa9: {  	[dreg:$0x3] =	wrdreg s4  }
0xaa: {  	[dreg:$0x4] =	wrdreg $0xC0  }
0xab: {  	_ =	task [dreg:s6], $0x5FFFF  }
0xac: {  	[dreg:$0x1] =	wrdreg $0xFFFFFFFF  }
0xad: {  	[dreg:$0x0] =	wrdreg $0x60  }
0xae: {  	[dreg:$0x2] =	wrdreg s24  }
0xaf: {  	[dreg:$0x3] =	wrdreg $0x41000  }
0xb0: {  	[dreg:$0x4] =	wrdreg $0x9  }
0xb1: {  	_ =	task.clear_ibuf [dreg:s6], $0x5FFFF;
	_ =	strace $0x90000049  }
0xb2: {  	s29 =	simm.s32 $0x9;
	_ =	strace $0x8000004B  }
0xb3: {  	_ =	swait.ge [sflag:s29], $0x1  }
0xb4: {  	[sflag:s29] =	ssyncadd.s32 $0xFFFFFFFF  }
0xb5: {  	_ =	strace $0x9000004B  }
0xb6: {  	_ =	sfence  }
0xb7: {  	s30 =	sld [smem:$0x0];
	_ =	sdelay $0x2  }
0xb8: {  	s31 =	sshll.u32 s1, $0xD;
	s1 =	sshrl.u32 s1, $0x2  }
0xb9: {  	s3 =	sand.u32 $0x4000, s31;
	s1 =	sadd.s32 s1, s30  }
0xba: {  	s0 =	sor.u32 s3, s0;
	s1 =	sshll.u32 s1, $0x11  }
0xbb: {  	s0 =	sor.u32 s1, s0  }
0xbc: {  	s0 =	sadd.s32 $0x8F2B, s0  }
0xbd: {  	[sflag:s0] =	ssyncadd.remote.s32 $0x1  }
0xbe: {  	_ =	sfence.sel $0xFFFF  }
0xbf: {  	[dreg:$0x0] =	wrdreg $0xFFFFFFFF;
	(pc) =	sbr.abs _section_cstart, $3  }
0xc0: {  	[dreg:$0x1] =	wrdreg $0xFFFFFFFF  }
0xc1: {  	_ =	task.clear_ibuf [dreg:s6], $0x2FFFF;
	_ =	strace $0x9FFFFFFF  }
0xc2: {  	(tm) =	ssettm $0x7FFFFFFF  }
0xc3: {  	_ =	shalt  }
tec
execute0_lowered:
.L_overlay_start_1:
0x0: {  	(tag) =	ssettag $0x1  }
0x1: {  	s8 =	rddreg [dreg:$0x0]  }
0x2: {  	s2 =	rddreg [dreg:$0x1]  }
0x3: {  	s0 =	rddreg [dreg:$0x2]  }
0x4: {  	s3 =	simm.s32 $0x0;
	s1 =	stileid.u32;
	s4 =	srdreg.scid  }
0x5: {  	s21 =	simm.s32 $0x2;
	s22 =	simm.s32 $0x80;
	s23 =	simm.s32 $0x100  }
0x6: {  	s24 =	simm.s32 $0x1;
	s25 =	simm.s32 $0x0;
	s5 =	smul.u32 $0x9E0, s1  }
0x7: {  	[smem:$0x7FF] =	sst s3;
	s10 =	sand.u32 $0x1, s4;
	s29 =	smul.u32 $0x4F000, s1  }
0x8: {  	s4 =	sadd.s32 $0x17C00, s8;
	s11 =	sadd.s32 $0x3EE00, s8;
	s9 =	smul.u32 $0x2780, s1  }
0x9: {  	p2 =	sne.s32 s1, $0xF;
	p0 =	seq.s32 s1, $0xF;
	s15 =	smul.u32 $0x13C00, s1  }
0xa: {  	s18 =	sadd.s32 $0x138800, s2;
	_ =	strace $0x8000004A;
	s14 =	smul.u32 $0x138800, s10  }
0xb: {  	s6 =	ssub.s32 $0x2, s10;
	p1 =	seq.s32 s10, $0x0;
	s16 =	smul.u32 $0x4F0, s10  }
0xc: {  	s13 =	sadd.s32 s5, s8;
	s5 =	sadd.s32 $0x15400, s8;
	s7 =	sshrl.u32 s6, $0x1  }
0xd: {  	p2 =	por !p1, !p2;
	p3 =	por !p1, !p0;
	s30 =	sshrl.u32 s29, $0x2  }
0xe: {  	s8 =	sadd.s32 $0x3CC80, s8;
	s9 =	sadd.s32 s4, s9;
	s12 =	ssub.s32 s6, s7  }
0xf: {  	p1 =	por !p2, !p2;
	p3 =	por !p3, !p3;
	s6 =	sadd.s32 $0x128400, s2  }
0x10: {  	s7 =	sadd.s32 s30, s2;
	s15 =	sadd.s32 s15, s14;
	s14 =	sshrl.u32 s14, $0x3  }
0x11: {  	s31 =	sadd.s32 s16, s13;
	p2 =	por p3, p1;
	s15 =	sshrl.u32 s15, $0x3  }
0x12: {  	s14 =	sadd.s32 s11, s14;
	s12 =	smax.u32 s12, $0x1;
	s13 =	sadd.s32 $0xB600, s31  }
0x13: {  	s19 =	sshll.u32 @p1 s1, $0x6;
	s20 =	sshrl.u32 @p1 s7, $0x3;
	p2 =	seq.s32 @!p2 s10, $0x0  }
0x14: {  	s10 =	sadd.s32 s11, s15;
	s11 =	sadd.s32 $0x25080, s14;
	p2 =	por @!p1 p2, p3  }
0x15: {  	s14 =	sadd.s32 $0x1800, s31;
	p3 =	por !p3, p1;
	p2 =	por p2, p1  }
0x16: {  	s19 =	sor.u32 @p1 $0x1C02, s19;
	s17 =	sshrl.u32 @!p3 s6, $0x3;
	s15 =	sshll.u32 @!p2 s1, $0x6  }
0x17: {  	s18 =	sshrl.u32 @!p3 s18, $0x3;
	s16 =	sshrl.u32 @!p2 s7, $0x3;
	s15 =	sor.u32 @!p2 $0x1C02, s15  }
.LBB2_1:
0x18: {  	[spmem:s16], [sflag:s15] =	dma.local @!p2 [hbm:s5], $0x2780  }
0x19: {  	s26 =	simm.s32 @!p2 $0x2  }
0x1a: {  	_ =	swait.ge @!p2 [sflag:s26], $0x2780  }
0x1b: {  	[sflag:s26] =	ssyncset.done @!p2 $0x0  }
0x1c: {  	s28 =	simm.s32 @!p3 $0x2;
	[sflag:s26] =	ssyncadd.s32 @!p2 $0xFFFFD880;
	s26 =	simm.s32 @!p3 $0x1FC2  }
0x1d: {  	[spmem:s17], [sflag:s26] =	dma.local @!p3 [hbm:s8], $0x2080  }
0x1e: {  	_ =	swait.ge @!p3 [sflag:s28], $0x2080  }
0x1f: {  	[sflag:s28] =	ssyncset.done @!p3 $0x0  }
0x20: {  	[sflag:s28] =	ssyncadd.s32 @!p3 $0xFFFFDF80  }
0x21: {  	[spmem:s18], [sflag:s26] =	dma.local @!p3 [hbm:s5], $0x700  }
0x22: {  	_ =	swait.ge @!p3 [sflag:s28], $0x700  }
0x23: {  	[sflag:s28] =	ssyncset.done @!p3 $0x0  }
0x24: {  	s26 =	simm.s32 @p1 $0x2;
	[sflag:s28] =	ssyncadd.s32 @!p3 $0xFFFFF900  }
0x25: {  	[spmem:s20], [sflag:s19] =	dma.local @p1 [hbm:s9], $0x2780  }
0x26: {  	_ =	swait.ge @p1 [sflag:s26], $0x2780  }
0x27: {  	[sflag:s26] =	ssyncset.done @p1 $0x0  }
0x28: {  	[sflag:s26] =	ssyncadd.s32 @p1 $0xFFFFD880  }
0x29: {  	s30 =	sadd.s32 $0x0, s14;
	[bflag:$0x0] =	sbarrier.arrive $0xFFFF  }
0x2a: {  	[tilespmem:s3], [sflag:$0x2] =	stream.linear.gather [hbm4b:s30+s3], $0x80, $0x38;
	[tilespmem:$0x17D00] =	vst v63  }
0x2b: {  	_ =	swait.ge [sflag:s21], $0x80  }
0x2c: {  	[sflag:s21] =	ssyncset.done $0x0  }
0x2d: {  	s31 =	sadd.s32 $0x0, s13;
	[sflag:s21] =	ssyncadd.s32 $0xFFFFFF80  }
0x2e: {  	[tilespmem:s22], [sflag:$0x2] =	stream.linear.gather [hbm4b:s31+s3], $0x80, $0x38;
	[tilespmem:$0x17D00] =	vst v63  }
0x2f: {  	_ =	swait.ge [sflag:s21], $0x80  }
0x30: {  	[sflag:s21] =	ssyncset.done $0x0  }
0x31: {  	[sflag:s21] =	ssyncadd.s32 $0xFFFFFF80  }
0x32: {  	[tilespmem:s23], [sflag:$0x1] =	stream.indirect.gather [hbm4b:s4+s22], $0x80, s3, s22, $0xb8;
	[tilespmem:$0x17D00] =	vst v63  }
0x33: {  	_ =	swait.ge [sflag:s24], $0x4000  }
0x34: {  	p4 =	por @!p3 $0x1, $0x1;
	p5 =	por p0, p0;
	[sflag:s24] =	ssyncset.done $0x0  }
0x35: {  	p5 =	por @!p3 p4, p4;
	p4 =	por @p1 $0x0, $0x0;
	[sflag:s24] =	ssyncadd.s32 $0xFFFFC000  }
0x36: {  	[spmem:s2] =	stream.indirect.scatter.add.f32 [tilespmem:s23], [sflag:$0x2], $0x80, s22, s22, $0xb8;
	[tilespmem:$0x17D00] =	vst v63  }
0x37: {  	p4 =	por @!p1 p5, p5;
	_ =	swait.ge [sflag:s21], $0x4000  }
0x38: {  	s28 =	simm.s32 $0x20;
	s26 =	simm.s32 $0x10;
	[sflag:s21] =	ssyncset.done $0x0  }
.LBB2_2:
0x39: {  	s29 =	sadd.s32 s26, s14  }
0x3a: {  	[sflag:s21] =	ssyncadd.s32 $0xFFFFC000;
	s30 =	smov.u32 s28;
	s31 =	sadd.s32 $0x10, s28  }
0x3b: {  	[tilespmem:s3], [sflag:$0x2] =	stream.linear.gather [hbm4b:s29+s3], $0x80, $0x38;
	[tilespmem:$0x17D00] =	vst v63  }
0x3c: {  	p5 =	sne.s32 s28, $0x4E0;
	_ =	swait.ge [sflag:s21], $0x80  }
0x3d: {  	[sflag:s21] =	ssyncset.done $0x0  }
0x3e: {  	s28 =	sadd.s32 s26, s13;
	s26 =	smov.u32 s30;
	[sflag:s21] =	ssyncadd.s32 $0xFFFFFF80  }
0x3f: {  	[tilespmem:s22], [sflag:$0x2] =	stream.linear.gather [hbm4b:s28+s3], $0x80, $0x38;
	[tilespmem:$0x17D00] =	vst v63  }
0x40: {  	_ =	swait.ge [sflag:s21], $0x80  }
0x41: {  	[sflag:s21] =	ssyncset.done $0x0  }
0x42: {  	[sflag:s21] =	ssyncadd.s32 $0xFFFFFF80  }
0x43: {  	[tilespmem:s23], [sflag:$0x1] =	stream.indirect.gather [hbm4b:s4+s22], $0x80, s3, s22, $0xb8;
	[tilespmem:$0x17D00] =	vst v63  }
0x44: {  	_ =	swait.ge [sflag:s24], $0x4000  }
.Ltmp0:
0x45: {  	[sflag:s24] =	ssyncset.done $0x0;
	(pc) =	sbr.rel @p5 .LBB2_2-.Ltmp0, $4  }
0x46: {  	[sflag:s24] =	ssyncadd.s32 $0xFFFFC000  }
0x47: {  	[spmem:s2] =	stream.indirect.scatter.add.f32 [tilespmem:s23], [sflag:$0x2], $0x80, s22, s22, $0xb8;
	[tilespmem:$0x17D00] =	vst v63  }
0x48: {  	_ =	swait.ge [sflag:s21], $0x4000  }
0x49: {  	s28 =	smov.u32 s31;
	[sflag:s21] =	ssyncset.done $0x0  }
0x4a: {  	s28 =	sadd.s32 s26, s14;
	[sflag:s21] =	ssyncadd.s32 $0xFFFFC000  }
0x4b: {  	[tilespmem:s3], [sflag:$0x2] =	stream.linear.gather [hbm4b:s28+s3], $0x80, $0x38;
	[tilespmem:$0x17D00] =	vst v63  }
0x4c: {  	_ =	swait.ge [sflag:s21], $0x80  }
0x4d: {  	[sflag:s21] =	ssyncset.done $0x0  }
0x4e: {  	s31 =	sadd.s32 s26, s13;
	[sflag:s21] =	ssyncadd.s32 $0xFFFFFF80  }
0x4f: {  	[tilespmem:s22], [sflag:$0x2] =	stream.linear.gather [hbm4b:s31+s3], $0x80, $0x38;
	[tilespmem:$0x17D00] =	vst v63  }
0x50: {  	_ =	swait.ge [sflag:s21], $0x80  }
0x51: {  	[sflag:s21] =	ssyncset.done $0x0  }
0x52: {  	[sflag:s21] =	ssyncadd.s32 $0xFFFFFF80  }
0x53: {  	[tilespmem:s23], [sflag:$0x1] =	stream.indirect.gather [hbm4b:s4+s22], $0x80, s3, s22, $0xb8;
	[tilespmem:$0x17D00] =	vst v63  }
0x54: {  	_ =	swait.ge [sflag:s24], $0x4000  }
0x55: {  	[sflag:s24] =	ssyncset.done $0x0  }
0x56: {  	[sflag:s24] =	ssyncadd.s32 $0xFFFFC000  }
0x57: {  	[spmem:s2] =	stream.indirect.scatter.add.f32 [tilespmem:s23], [sflag:$0x2], $0x80, s22, s22, $0xb8;
	[tilespmem:$0x17D00] =	vst v63  }
0x58: {  	_ =	swait.ge [sflag:s21], $0x4000  }
0x59: {  	[sflag:s21] =	ssyncset.done $0x0  }
0x5a: {  	s26 =	sshll.u32 @!p0 s1, $0x6;
	[sflag:s21] =	ssyncadd.s32 $0xFFFFC000  }
0x5b: {  	s26 =	sor.u32 @!p0 $0x1C02, s26;
	s28 =	sshrl.u32 @!p0 s7, $0x3;
	[bflag:$0x0] =	sbarrier.arrive $0xFFFF  }
0x5c: {  	[hbm:s10], [sflag:s26] =	dma.local @!p0 [spmem:s28], $0x2780  }
0x5d: {  	s26 =	simm.s32 @!p0 $0x2  }
0x5e: {  	s25 =	sadd.s32 $0x1, s25;
	_ =	swait.ge @!p0 [sflag:s26], $0x2780  }
0x5f: {  	p5 =	sne.s32 s25, s12;
	s28 =	sshll.u32 @p4 s1, $0x6;
	[sflag:s26] =	ssyncset.done @!p0 $0x0  }
0x60: {  	[sflag:s26] =	ssyncadd.s32 @!p0 $0xFFFFD880;
	s26 =	sor.u32 @p4 $0x1C02, s28;
	s28 =	sshrl.u32 @p4 s6, $0x3  }
0x61: {  	[hbm:s11], [sflag:s26] =	dma.local @p4 [spmem:s28], $0x2080  }
.Ltmp1:
0x62: {  	_ = 	snop;
	(pc) =	sbr.rel @p5 .LBB2_1-.Ltmp1, $4  }
0x63: {  	s26 =	simm.s32 @p4 $0x2  }
0x64: {  	_ =	swait.ge @p4 [sflag:s26], $0x2080  }
0x65: {  	[sflag:s26] =	ssyncset.done @p4 $0x0  }
0x66: {  	[sflag:s26] =	ssyncadd.s32 @p4 $0xFFFFDF80  }
0x67: {  	_ =	sfence.sel $0x180000  }
0x68: {  	[bflag:$0x0] =	sbarrier.arrive $0xFFFF  }
0x69: {  	p0 =	sne.s32 s1, $0x0;
	_ =	strace $0x9000004A  }
0x6a: {  	s0 =	sadd.s32 @!p0 $0x100000, s0;
	[bflag:$0x2] =	sbarrier.arrive $0xFFFF  }
0x6b: {  	[sflag:s0] =	ssyncadd.tile.s32 @!p0 $0x1;
	_ =	shalt  }
.Lfunc_end2:
_tile_overlayer_lowered:
.L_overlay_start_2:
0x6c: {  	(tag) =	ssettag $0x2  }
0x6d: {  	s0 =	rddreg [dreg:$0x0];
	s2 =	stileid.u32  }
0x6e: {  	s1 =	rddreg [dreg:$0x1];
	p0 =	sne.s32 s2, $0x0  }
0x6f: {  	s3 =	rddreg [dreg:$0x2];
	[bflag:$0x3] =	sbarrier.arrive $0xFFFF;
	s2 =	simm.s32 @!p0 $0x1C02  }
0x70: {  	[timem:s3], [sflag:s2] =	dma.local @!p0 [hbm:s0], s1  }
0x71: {  	s0 =	simm.s32 @!p0 $0x2  }
0x72: {  	_ =	swait.ge @!p0 [sflag:s0], s1  }
0x73: {  	s1 =	ssub.s32 @!p0 $0x0, s1;
	[sflag:s0] =	ssyncset.done @!p0 $0x0  }
0x74: {  	[sflag:s0] =	ssyncadd.s32 @!p0 s1  }
0x75: {  	[bflag:$0x3] =	sbarrier.arrive $0xFFFF  }
0x76: {  	_ =	shalt  }

</sc_bundles>
